<compile_context>
chip_gen: v7x
topology: tpu7x:2x2x1
jax: 0.10.2.dev20260603
libtpu: 0.0.44.dev20260713+nightly
codegen_flags: <defaults>
</compile_context>

<pallas_src>
import functools
import math

import jax
import jax.numpy as jnp
from jax import lax
from jax.experimental import pallas as pl
from jax.experimental.pallas import tpu as pltpu
from jax.experimental.pallas import tpu_sc as plsc

_NUM_LAYERS = 4
_ALPHA = 0.1
_THETA = 0.5
_NUM_GRAPHS = 16
_EPS_PN = 1e-5
_EPS_BN = 1e-5

_NC = 2
_NS = 16
_NW = _NC * _NS


@functools.partial(jax.jit, static_argnames=("npad", "hid", "ch", "k"))
def _sc_segment_sum(h, src1, dst3, zeros_tile, *, npad, hid, ch, k):
    rpt = npad // _NS
    epw = ch * k

    mesh = plsc.VectorSubcoreMesh(core_axis_name="c", subcore_axis_name="s")

    @functools.partial(
        pl.kernel,
        mesh=mesh,
        out_type=jax.ShapeDtypeStruct((_NC, npad, hid), jnp.float32),
        scratch_types=[
            pltpu.VMEM((epw,), jnp.int32),
            pltpu.VMEM((3, 1, k), jnp.int32),
            pltpu.VMEM((k, hid), jnp.float32),
            pltpu.VMEM((k, hid), jnp.float32),
            pltpu.VMEM((k, hid), jnp.float32),
            pltpu.VMEM_SHARED((npad, hid), jnp.float32),
            pltpu.SemaphoreType.DMA,
            pltpu.SemaphoreType.DMA,
            pltpu.SemaphoreType.DMA,
            pltpu.SemaphoreType.DMA,
            pltpu.SemaphoreType.DMA,
            pltpu.SemaphoreType.DMA,
        ],
    )
    def body(h_hbm, src_hbm, dst_hbm, z_hbm, out_hbm, src_v, dst_v, rows0,
             rows1, rows2, acc_sh, gs0, gs1, gs2, ds0, ds1, ds2):
        cid = lax.axis_index("c")
        sid = lax.axis_index("s")
        wid = sid * _NC + cid
        rows = (rows0, rows1, rows2)
        gsem = (gs0, gs1, gs2)
        dsem = (ds0, ds1, ds2)
        pltpu.sync_copy(z_hbm, acc_sh.at[pl.ds(sid * rpt, rpt)])
        pltpu.sync_copy(src_hbm.at[pl.ds(wid * epw, epw)], src_v)
        plsc.subcore_barrier()

        def gather(c, u):
            return pltpu.make_async_copy(
                h_hbm.at[src_v.at[pl.ds(c * k, k)]], rows[u], gsem[u])

        def dstcopy(c, u):
            return pltpu.make_async_copy(dst_hbm.at[wid, c], dst_v.at[u],
                                         dsem[u])

        def stage(c, u):
            dstcopy(c, u).start()
            gather(c, u).start()

        def process(c, u, last):
            gather(c, u).wait()
            dstcopy(c, u).wait()
            pltpu.sync_copy(rows[u], acc_sh.at[dst_v.at[u, 0]], add=True)
            if not last:
                @pl.when(c + 3 < ch)
                def _():
                    stage(c + 3, u)

        for u in range(min(3, ch)):
            stage(u, u)

        def group(g, carry):
            c = 3 * g
            process(c, 0, False)
            process(c + 1, 1, False)
            process(c + 2, 2, False)
            return carry

        lax.fori_loop(0, ch // 3, group, 0)
        for r in range(ch % 3):
            process(ch - (ch % 3) + r, r, True)
        plsc.subcore_barrier()
        pltpu.sync_copy(acc_sh.at[pl.ds(sid * rpt, rpt)],
                        out_hbm.at[cid, pl.ds(sid * rpt, rpt)])

    return body(h, src1, dst3, zeros_tile)


def _dense0_body(x_ref, w_ref, b_ref, o_ref):
    o_ref[...] = jax.nn.relu(
        jnp.dot(x_ref[...], w_ref[...], preferred_element_type=jnp.float32)
        + b_ref[...])


def _layer_body(p_ref, x0_ref, h_ref, w_ref, o_ref, *, alpha, beta, eps):
    n = x0_ref.shape[0]
    agg = (p_ref[0] + p_ref[1])[:n]
    t = (1.0 - alpha) * agg + alpha * x0_ref[...]
    out = (1.0 - beta) * t + beta * jnp.dot(
        t, w_ref[...], preferred_element_type=jnp.float32)
    h2 = jax.nn.relu(out + h_ref[...])
    h2 = h2 - jnp.mean(h2, axis=0, keepdims=True)
    ms = jnp.mean(jnp.sum(h2 * h2, axis=-1))
    o_ref[...] = h2 / jnp.sqrt(eps + ms)


def _tail_body(h_ref, bat_ref, w1_ref, b1_ref, w2_ref, b2_ref, g_ref, be_ref,
               o_ref, *, ng, eps_bn):
    h = h_ref[...]
    bat = bat_ref[...]
    n = h.shape[0]
    gid = lax.broadcasted_iota(jnp.int32, (n, ng), 1)
    onehot = (bat == gid).astype(jnp.float32)
    gsum = lax.dot_general(onehot, h, (((0,), (0,)), ((), ())),
                           preferred_element_type=jnp.float32)
    cnt = jnp.sum(onehot, axis=0).reshape(ng, 1)
    gmax_rows = []
    for g in range(ng):
        m = bat == g
        gmax_rows.append(
            jnp.max(jnp.where(m, h, -jnp.inf), axis=0, keepdims=True))
    gmax = jnp.concatenate(gmax_rows, axis=0)
    cnt = jnp.maximum(cnt, 1.0)
    x2 = jnp.concatenate([gmax, gsum / cnt], axis=1)
    z = jax.nn.relu(
        jnp.dot(x2, w1_ref[...], preferred_element_type=jnp.float32)
        + b1_ref[...])
    mu = jnp.mean(z, axis=0, keepdims=True)
    var = jnp.mean((z - mu) ** 2, axis=0, keepdims=True)
    z = (z - mu) / jnp.sqrt(var + eps_bn) * g_ref[...] + be_ref[...]
    logits = (jnp.dot(z, w2_ref[...], preferred_element_type=jnp.float32)
              + b2_ref[...])
    mx = jnp.max(logits, axis=1, keepdims=True)
    lse = mx + jnp.log(jnp.sum(jnp.exp(logits - mx), axis=1, keepdims=True))
    o_ref[...] = logits - lse


def _tc_call(body, out_shape, *args):
    return pl.pallas_call(body, out_shape=out_shape)(*args)


def kernel(x, edge_index, batch, lin0_W, lin0_b, conv_W, lin1_W, lin1_b,
           lin2_W, lin2_b, bn_gamma, bn_beta):
    n, dim = x.shape
    hid = lin0_W.shape[1]
    e = edge_index.shape[1]

    assert e % _NW == 0, e
    epw = e // _NW
    k = 0
    for cand in range(128, 7, -1):
        if epw % cand or cand % 8:
            continue
        words = (-(-epw // 128) * 128 + 3 * 1024
                 + 3 * -(-cand // 8) * 8 * hid)
        if words <= 47000:
            k = cand
            break
    assert k, epw
    ch = epw // k
    rpt = -(-n // (_NS * 8)) * 8
    npad = rpt * _NS

    src1 = edge_index[0]
    dst3 = edge_index[1].reshape(_NW, ch, 1, k)
    zeros_tile = jnp.zeros((rpt, hid), dtype=jnp.float32)
    bat2 = batch.reshape(n, 1)

    x0 = _tc_call(_dense0_body, jax.ShapeDtypeStruct((n, hid), jnp.float32),
                  x, lin0_W, lin0_b.reshape(1, hid))
    h = x0
    for l in range(_NUM_LAYERS):
        beta = float(math.log(_THETA / (l + 1) + 1.0))
        partials = _sc_segment_sum(h, src1, dst3, zeros_tile,
                                   npad=npad, hid=hid, ch=ch, k=k)
        h = _tc_call(
            functools.partial(_layer_body, alpha=_ALPHA, beta=beta,
                              eps=_EPS_PN),
            jax.ShapeDtypeStruct((n, hid), jnp.float32),
            partials, x0, h, conv_W[l])

    out = _tc_call(
        functools.partial(_tail_body, ng=_NUM_GRAPHS, eps_bn=_EPS_BN),
        jax.ShapeDtypeStruct((_NUM_GRAPHS, lin2_W.shape[1]), jnp.float32),
        h, bat2, lin1_W, lin1_b.reshape(1, -1), lin2_W, lin2_b.reshape(1, -1),
        bn_gamma.reshape(1, -1), bn_beta.reshape(1, -1))
    return out

# --- scband reference (transcript-rebuilt; emitter-appended) ---
"""Pipeline reference for scband-gcn2-net-18743237280530 (READ-ONLY COPY).

The authoritative reference and input builder live on the scoring server;
editing this copy changes nothing except your own understanding.
"""

import jax, jax.numpy as jnp
import numpy as np

N = 10000
E = 320000
DIM = 128
HID = 128
NUM_LAYERS = 4
ALPHA = 0.1
THETA = 0.5
NUM_CLASSES = 2
NUM_GRAPHS = 16
EPS_PN = 1e-5
EPS_BN = 1e-5


def setup_inputs(seed: int = 0):
    key = jax.random.key(seed)
    ks = jax.random.split(key, 12)
    x = jax.random.normal(ks[0], (N, DIM), dtype=jnp.float32)
    edge_index = jax.random.randint(ks[1], (2, E), 0, N, dtype=jnp.int32)
    batch = jnp.sort(jax.random.randint(ks[2], (N,), 0, NUM_GRAPHS, dtype=jnp.int32))
    lin0_W = jax.random.normal(ks[3], (DIM, HID), dtype=jnp.float32) * 0.05
    lin0_b = jnp.zeros((HID,), dtype=jnp.float32)
    conv_W = jax.random.normal(ks[4], (NUM_LAYERS, HID, HID), dtype=jnp.float32) * 0.05
    lin1_W = jax.random.normal(ks[5], (2 * HID, HID // 2), dtype=jnp.float32) * 0.05
    lin1_b = jnp.zeros((HID // 2,), dtype=jnp.float32)
    lin2_W = jax.random.normal(ks[6], (HID // 2, NUM_CLASSES), dtype=jnp.float32) * 0.05
    lin2_b = jnp.zeros((NUM_CLASSES,), dtype=jnp.float32)
    bn_gamma = jnp.ones((HID // 2,), dtype=jnp.float32)
    bn_beta = jnp.zeros((HID // 2,), dtype=jnp.float32)
    return {"x": x, "edge_index": edge_index, "batch": batch, "lin0_W": lin0_W, "lin0_b": lin0_b, "conv_W": conv_W, "lin1_W": lin1_W, "lin1_b": lin1_b, "lin2_W": lin2_W, "lin2_b": lin2_b, "bn_gamma": bn_gamma, "bn_beta": bn_beta}


def _forward(x, lin0_W, lin0_b, conv_W, lin1_W, lin1_b, lin2_W, lin2_b, bn_gamma, bn_beta, edge_index, batch):
    src = edge_index[0]
    dst = edge_index[1]
    # lins[0] + relu; x_0 initial residual
    x0 = jax.nn.relu(x @ lin0_W + lin0_b)
    h = x0
    for l in range(NUM_LAYERS):
        beta = float(np.log(THETA / (l + 1) + 1.0))
        # GCN2Conv, normalize=False: propagate = scatter-add of source features at dst
        agg = jax.ops.segment_sum(h[src], dst, num_segments=N)
        t = (1.0 - ALPHA) * agg + ALPHA * x0
        out = (1.0 - beta) * t + beta * (t @ conv_W[l])  # shared_weights=True branch
        h = jax.nn.relu(out + h)
        # PairNorm (mode PN, scale=1)
        h = h - jnp.mean(h, axis=0, keepdims=True)
        h = h / jnp.sqrt(EPS_PN + jnp.mean(jnp.sum(h * h, axis=-1, keepdims=True)))
    # global max/mean pool over batch ids
    gmax = jax.ops.segment_max(h, batch, num_segments=NUM_GRAPHS)
    counts = jax.ops.segment_sum(jnp.ones((N,), dtype=jnp.float32), batch, num_segments=NUM_GRAPHS)
    counts = jnp.maximum(counts, 1.0)
    gmean = jax.ops.segment_sum(h, batch, num_segments=NUM_GRAPHS) / counts[:, None]
    x2 = jnp.concatenate([gmax, gmean], axis=1)
    z = jax.nn.relu(x2 @ lin1_W + lin1_b)
    # BatchNorm1d (training mode: batch statistics, biased var)
    mu = jnp.mean(z, axis=0, keepdims=True)
    var = jnp.mean((z - mu) ** 2, axis=0, keepdims=True)
    z = (z - mu) / jnp.sqrt(var + EPS_BN) * bn_gamma + bn_beta
    logits = z @ lin2_W + lin2_b
    return jax.nn.log_softmax(logits, axis=1)


def reference(x, edge_index, batch, lin0_W, lin0_b, conv_W, lin1_W, lin1_b, lin2_W, lin2_b, bn_gamma, bn_beta):
    return _forward(x, lin0_W, lin0_b, conv_W, lin1_W, lin1_b, lin2_W, lin2_b, bn_gamma, bn_beta, edge_index, batch)

if __name__ == "__main__":
    import jax
    _d = setup_inputs()
    print(jax.jit(kernel)(*tuple(_d.values())))

</pallas_src>

<mosaic_0001>
#map = affine_map<(d0, d1) -> (0, 0)>
#map1 = affine_map<(d0, d1) -> (0)>
#map2 = affine_map<(d0, d1) -> (0, 0, 0, 0)>
#map3 = affine_map<(d0, d1) -> (0, 0, 0)>
module attributes {stable_mosaic.version = 14 : i64} {
  func.func @body(%arg0: i32, %arg1: i32, %arg2: memref<10000x128xf32, #tpu.memory_space<hbm>>, %arg3: memref<320000xi32, #tpu.memory_space<hbm>>, %arg4: memref<32x125x1x80xi32, #tpu.memory_space<hbm>>, %arg5: memref<632x128xf32, #tpu.memory_space<hbm>>, %arg6: memref<2x10112x128xf32, #tpu.memory_space<hbm>>, %arg7: memref<10000xi32, #tpu.memory_space<vmem>>, %arg8: memref<3x1x80xi32, #tpu.memory_space<vmem>>, %arg9: memref<80x128xf32, #tpu.memory_space<vmem>>, %arg10: memref<80x128xf32, #tpu.memory_space<vmem>>, %arg11: memref<80x128xf32, #tpu.memory_space<vmem>>, %arg12: memref<10112x128xf32, #tpu.memory_space<vmem_shared>>, %arg13: memref<!tpu.dma_semaphore, #tpu.memory_space<semaphore_mem>>, %arg14: memref<!tpu.dma_semaphore, #tpu.memory_space<semaphore_mem>>, %arg15: memref<!tpu.dma_semaphore, #tpu.memory_space<semaphore_mem>>, %arg16: memref<!tpu.dma_semaphore, #tpu.memory_space<semaphore_mem>>, %arg17: memref<!tpu.dma_semaphore, #tpu.memory_space<semaphore_mem>>, %arg18: memref<!tpu.dma_semaphore, #tpu.memory_space<semaphore_mem>>) attributes {dimension_semantics = [#tpu.dimension_semantics<core_parallel>, #tpu.dimension_semantics<subcore_parallel>], iteration_bounds = array<i64: 2, 16>, scalar_prefetch = 0 : i64, scratch_operands = 12 : i64, tpu.core_type = #tpu.core_type<sc_vector_subcore>, window_params = [{transform_indices = #map}, {transform_indices = #map1}, {transform_indices = #map2}, {transform_indices = #map}, {transform_indices = #map3}]} {
    %mul3A = arith.constant 2 : i32
    %mul3A_0 = arith.muli %arg1, %mul3A : i32
    %add3A = arith.addi %mul3A_0, %arg0 : i32
    %mul3A_1 = arith.constant 632 : i32
    %mul3A_2 = arith.muli %arg1, %mul3A_1 : i32
    "tpu.region"() ({
      %run_scoped3A_131 = tpu.sem_alloc : memref<!tpu.dma_semaphore, #tpu.memory_space<semaphore_mem>>
      %dma_start3A_132 = arith.constant 0 : i32
      %dma_start3A_133 = tpu.memref_slice %arg12[%mul3A_2, %dma_start3A_132] : memref<10112x128xf32, #tpu.memory_space<vmem_shared>> -> memref<632x128xf32, #tpu.memory_space<vmem_shared>>
      tpu.enqueue_dma source(%arg5 : memref<632x128xf32, #tpu.memory_space<hbm>>) target(%dma_start3A_133 : memref<632x128xf32, #tpu.memory_space<vmem_shared>>) target_semaphore(%run_scoped3A_131 : memref<!tpu.dma_semaphore, #tpu.memory_space<semaphore_mem>>)
      %dma_wait3A_134 = arith.constant 0 : i32
      %dma_wait3A_135 = tpu.memref_slice %arg12[%mul3A_2, %dma_wait3A_134] : memref<10112x128xf32, #tpu.memory_space<vmem_shared>> -> memref<632x128xf32, #tpu.memory_space<vmem_shared>>
      tpu.wait_dma2 semaphore(%run_scoped3A_131 : memref<!tpu.dma_semaphore, #tpu.memory_space<semaphore_mem>>) src(%arg5 : memref<632x128xf32, #tpu.memory_space<hbm>>) dst(%dma_wait3A_135 : memref<632x128xf32, #tpu.memory_space<vmem_shared>>)
      tpu.yield
    }) : () -> ()
    %mul3A_3 = arith.constant 10000 : i32
    %mul3A_4 = arith.muli %add3A, %mul3A_3 : i32
    "tpu.region"() ({
      %run_scoped3A_131 = tpu.sem_alloc : memref<!tpu.dma_semaphore, #tpu.memory_space<semaphore_mem>>
      %dma_start3A_132 = tpu.memref_slice %arg3[%mul3A_4] : memref<320000xi32, #tpu.memory_space<hbm>> -> memref<10000xi32, #tpu.memory_space<hbm>>
      %dma_start3A_133 = tpu.memref_slice %arg3[%mul3A_4] : memref<320000xi32, #tpu.memory_space<hbm>> -> memref<10000xi32, #tpu.memory_space<hbm>>
      tpu.enqueue_dma source(%dma_start3A_133 : memref<10000xi32, #tpu.memory_space<hbm>>) target(%arg7 : memref<10000xi32, #tpu.memory_space<vmem>>) target_semaphore(%run_scoped3A_131 : memref<!tpu.dma_semaphore, #tpu.memory_space<semaphore_mem>>)
      %dma_wait3A_134 = tpu.memref_slice %arg3[%mul3A_4] : memref<320000xi32, #tpu.memory_space<hbm>> -> memref<10000xi32, #tpu.memory_space<hbm>>
      %dma_wait3A_135 = tpu.memref_slice %arg3[%mul3A_4] : memref<320000xi32, #tpu.memory_space<hbm>> -> memref<10000xi32, #tpu.memory_space<hbm>>
      tpu.wait_dma2 semaphore(%run_scoped3A_131 : memref<!tpu.dma_semaphore, #tpu.memory_space<semaphore_mem>>) src(%dma_wait3A_135 : memref<10000xi32, #tpu.memory_space<hbm>>) dst(%arg7 : memref<10000xi32, #tpu.memory_space<vmem>>)
      tpu.yield
    }) : () -> ()
    %barrier3A = arith.constant 0 : index
    tpu.barrier barrier_id(%barrier3A)
    %dma_start3A = arith.constant 0 : i32
    %dma_start3A_5 = arith.constant 0 : i32
    %dma_start3A_6 = arith.constant 0 : i32
    %dma_start3A_7 = arith.constant 0 : i32
    %dma_start3A_8 = tpu.memref_slice %arg8[%dma_start3A_5, %dma_start3A_6, %dma_start3A_7] : memref<3x1x80xi32, #tpu.memory_space<vmem>> -> memref<1x1x80xi32, #tpu.memory_space<vmem>>
    %dma_start3A_9 = tpu.memref_squeeze %dma_start3A_8 : memref<1x1x80xi32, #tpu.memory_space<vmem>> -> memref<1x80xi32, #tpu.memory_space<vmem>>
    %dma_start3A_10 = arith.constant 0 : i32
    %dma_start3A_11 = arith.constant 0 : i32
    %dma_start3A_12 = tpu.memref_slice %arg4[%add3A, %dma_start3A, %dma_start3A_10, %dma_start3A_11] : memref<32x125x1x80xi32, #tpu.memory_space<hbm>> -> memref<1x1x1x80xi32, #tpu.memory_space<hbm>>
    %dma_start3A_13 = tpu.memref_squeeze %dma_start3A_12 : memref<1x1x1x80xi32, #tpu.memory_space<hbm>> -> memref<1x80xi32, #tpu.memory_space<hbm>>
    %dma_start3A_14 = arith.constant 0 : i32
    %dma_start3A_15 = arith.constant 0 : i32
    %dma_start3A_16 = tpu.memref_slice %arg8[%dma_start3A_5, %dma_start3A_14, %dma_start3A_15] : memref<3x1x80xi32, #tpu.memory_space<vmem>> -> memref<1x1x80xi32, #tpu.memory_space<vmem>>
    %dma_start3A_17 = tpu.memref_squeeze %dma_start3A_16 : memref<1x1x80xi32, #tpu.memory_space<vmem>> -> memref<1x80xi32, #tpu.memory_space<vmem>>
    %dma_start3A_18 = arith.constant 0 : i32
    %dma_start3A_19 = arith.constant 0 : i32
    %dma_start3A_20 = tpu.memref_slice %arg4[%add3A, %dma_start3A, %dma_start3A_18, %dma_start3A_19] : memref<32x125x1x80xi32, #tpu.memory_space<hbm>> -> memref<1x1x1x80xi32, #tpu.memory_space<hbm>>
    %dma_start3A_21 = tpu.memref_squeeze %dma_start3A_20 : memref<1x1x1x80xi32, #tpu.memory_space<hbm>> -> memref<1x80xi32, #tpu.memory_space<hbm>>
    tpu.enqueue_dma source(%dma_start3A_21 : memref<1x80xi32, #tpu.memory_space<hbm>>) target(%dma_start3A_17 : memref<1x80xi32, #tpu.memory_space<vmem>>) target_semaphore(%arg16 : memref<!tpu.dma_semaphore, #tpu.memory_space<semaphore_mem>>)
    %dma_start3A_22 = arith.constant 0 : i32
    %dma_start3A_23 = tpu.memref_slice %arg7[%dma_start3A_22] : memref<10000xi32, #tpu.memory_space<vmem>> -> memref<80xi32, #tpu.memory_space<vmem>>
    %dma_start3A_24 = arith.constant 0 : i32
    %dma_start3A_25 = arith.constant 0 : i32
    %dma_start3A_26 = tpu.memref_slice %arg2[%dma_start3A_24, %dma_start3A_25] : memref<10000x128xf32, #tpu.memory_space<hbm>> -> memref<10000x128xf32, #tpu.memory_space<hbm>>
    tpu.enqueue_indirect_dma source(%dma_start3A_26 : memref<10000x128xf32, #tpu.memory_space<hbm>>) target(%arg9 : memref<80x128xf32, #tpu.memory_space<vmem>>) offsets(%dma_start3A_23 : memref<80xi32, #tpu.memory_space<vmem>>) semaphore(%arg13 : memref<!tpu.dma_semaphore, #tpu.memory_space<semaphore_mem>>)
    %dma_start3A_27 = arith.constant 1 : i32
    %dma_start3A_28 = arith.constant 1 : i32
    %dma_start3A_29 = arith.constant 0 : i32
    %dma_start3A_30 = arith.constant 0 : i32
    %dma_start3A_31 = tpu.memref_slice %arg8[%dma_start3A_28, %dma_start3A_29, %dma_start3A_30] : memref<3x1x80xi32, #tpu.memory_space<vmem>> -> memref<1x1x80xi32, #tpu.memory_space<vmem>>
    %dma_start3A_32 = tpu.memref_squeeze %dma_start3A_31 : memref<1x1x80xi32, #tpu.memory_space<vmem>> -> memref<1x80xi32, #tpu.memory_space<vmem>>
    %dma_start3A_33 = arith.constant 0 : i32
    %dma_start3A_34 = arith.constant 0 : i32
    %dma_start3A_35 = tpu.memref_slice %arg4[%add3A, %dma_start3A_27, %dma_start3A_33, %dma_start3A_34] : memref<32x125x1x80xi32, #tpu.memory_space<hbm>> -> memref<1x1x1x80xi32, #tpu.memory_space<hbm>>
    %dma_start3A_36 = tpu.memref_squeeze %dma_start3A_35 : memref<1x1x1x80xi32, #tpu.memory_space<hbm>> -> memref<1x80xi32, #tpu.memory_space<hbm>>
    %dma_start3A_37 = arith.constant 0 : i32
    %dma_start3A_38 = arith.constant 0 : i32
    %dma_start3A_39 = tpu.memref_slice %arg8[%dma_start3A_28, %dma_start3A_37, %dma_start3A_38] : memref<3x1x80xi32, #tpu.memory_space<vmem>> -> memref<1x1x80xi32, #tpu.memory_space<vmem>>
    %dma_start3A_40 = tpu.memref_squeeze %dma_start3A_39 : memref<1x1x80xi32, #tpu.memory_space<vmem>> -> memref<1x80xi32, #tpu.memory_space<vmem>>
    %dma_start3A_41 = arith.constant 0 : i32
    %dma_start3A_42 = arith.constant 0 : i32
    %dma_start3A_43 = tpu.memref_slice %arg4[%add3A, %dma_start3A_27, %dma_start3A_41, %dma_start3A_42] : memref<32x125x1x80xi32, #tpu.memory_space<hbm>> -> memref<1x1x1x80xi32, #tpu.memory_space<hbm>>
    %dma_start3A_44 = tpu.memref_squeeze %dma_start3A_43 : memref<1x1x1x80xi32, #tpu.memory_space<hbm>> -> memref<1x80xi32, #tpu.memory_space<hbm>>
    tpu.enqueue_dma source(%dma_start3A_44 : memref<1x80xi32, #tpu.memory_space<hbm>>) target(%dma_start3A_40 : memref<1x80xi32, #tpu.memory_space<vmem>>) target_semaphore(%arg17 : memref<!tpu.dma_semaphore, #tpu.memory_space<semaphore_mem>>)
    %dma_start3A_45 = arith.constant 80 : i32
    %dma_start3A_46 = tpu.memref_slice %arg7[%dma_start3A_45] : memref<10000xi32, #tpu.memory_space<vmem>> -> memref<80xi32, #tpu.memory_space<vmem>>
    %dma_start3A_47 = arith.constant 0 : i32
    %dma_start3A_48 = arith.constant 0 : i32
    %dma_start3A_49 = tpu.memref_slice %arg2[%dma_start3A_47, %dma_start3A_48] : memref<10000x128xf32, #tpu.memory_space<hbm>> -> memref<10000x128xf32, #tpu.memory_space<hbm>>
    tpu.enqueue_indirect_dma source(%dma_start3A_49 : memref<10000x128xf32, #tpu.memory_space<hbm>>) target(%arg10 : memref<80x128xf32, #tpu.memory_space<vmem>>) offsets(%dma_start3A_46 : memref<80xi32, #tpu.memory_space<vmem>>) semaphore(%arg14 : memref<!tpu.dma_semaphore, #tpu.memory_space<semaphore_mem>>)
    %dma_start3A_50 = arith.constant 2 : i32
    %dma_start3A_51 = arith.constant 2 : i32
    %dma_start3A_52 = arith.constant 0 : i32
    %dma_start3A_53 = arith.constant 0 : i32
    %dma_start3A_54 = tpu.memref_slice %arg8[%dma_start3A_51, %dma_start3A_52, %dma_start3A_53] : memref<3x1x80xi32, #tpu.memory_space<vmem>> -> memref<1x1x80xi32, #tpu.memory_space<vmem>>
    %dma_start3A_55 = tpu.memref_squeeze %dma_start3A_54 : memref<1x1x80xi32, #tpu.memory_space<vmem>> -> memref<1x80xi32, #tpu.memory_space<vmem>>
    %dma_start3A_56 = arith.constant 0 : i32
    %dma_start3A_57 = arith.constant 0 : i32
    %dma_start3A_58 = tpu.memref_slice %arg4[%add3A, %dma_start3A_50, %dma_start3A_56, %dma_start3A_57] : memref<32x125x1x80xi32, #tpu.memory_space<hbm>> -> memref<1x1x1x80xi32, #tpu.memory_space<hbm>>
    %dma_start3A_59 = tpu.memref_squeeze %dma_start3A_58 : memref<1x1x1x80xi32, #tpu.memory_space<hbm>> -> memref<1x80xi32, #tpu.memory_space<hbm>>
    %dma_start3A_60 = arith.constant 0 : i32
    %dma_start3A_61 = arith.constant 0 : i32
    %dma_start3A_62 = tpu.memref_slice %arg8[%dma_start3A_51, %dma_start3A_60, %dma_start3A_61] : memref<3x1x80xi32, #tpu.memory_space<vmem>> -> memref<1x1x80xi32, #tpu.memory_space<vmem>>
    %dma_start3A_63 = tpu.memref_squeeze %dma_start3A_62 : memref<1x1x80xi32, #tpu.memory_space<vmem>> -> memref<1x80xi32, #tpu.memory_space<vmem>>
    %dma_start3A_64 = arith.constant 0 : i32
    %dma_start3A_65 = arith.constant 0 : i32
    %dma_start3A_66 = tpu.memref_slice %arg4[%add3A, %dma_start3A_50, %dma_start3A_64, %dma_start3A_65] : memref<32x125x1x80xi32, #tpu.memory_space<hbm>> -> memref<1x1x1x80xi32, #tpu.memory_space<hbm>>
    %dma_start3A_67 = tpu.memref_squeeze %dma_start3A_66 : memref<1x1x1x80xi32, #tpu.memory_space<hbm>> -> memref<1x80xi32, #tpu.memory_space<hbm>>
    tpu.enqueue_dma source(%dma_start3A_67 : memref<1x80xi32, #tpu.memory_space<hbm>>) target(%dma_start3A_63 : memref<1x80xi32, #tpu.memory_space<vmem>>) target_semaphore(%arg18 : memref<!tpu.dma_semaphore, #tpu.memory_space<semaphore_mem>>)
    %dma_start3A_68 = arith.constant 160 : i32
    %dma_start3A_69 = tpu.memref_slice %arg7[%dma_start3A_68] : memref<10000xi32, #tpu.memory_space<vmem>> -> memref<80xi32, #tpu.memory_space<vmem>>
    %dma_start3A_70 = arith.constant 0 : i32
    %dma_start3A_71 = arith.constant 0 : i32
    %dma_start3A_72 = tpu.memref_slice %arg2[%dma_start3A_70, %dma_start3A_71] : memref<10000x128xf32, #tpu.memory_space<hbm>> -> memref<10000x128xf32, #tpu.memory_space<hbm>>
    tpu.enqueue_indirect_dma source(%dma_start3A_72 : memref<10000x128xf32, #tpu.memory_space<hbm>>) target(%arg11 : memref<80x128xf32, #tpu.memory_space<vmem>>) offsets(%dma_start3A_69 : memref<80xi32, #tpu.memory_space<vmem>>) semaphore(%arg15 : memref<!tpu.dma_semaphore, #tpu.memory_space<semaphore_mem>>)
    %scan3A = arith.constant 0 : i32
    %scan3A_73 = arith.constant 0 : i32
    %scan3A_74 = arith.constant 41 : i32
    %scan3A_75 = arith.addi %scan3A_73, %scan3A_74 : i32
    %scan3A_76 = arith.constant 1 : i32
    scf.for %scan3A_131 = %scan3A_73 to %scan3A_75 step %scan3A_76  : i32 {
      %mul3A_132 = arith.constant 3 : i32
      %mul3A_133 = arith.muli %mul3A_132, %scan3A_131 : i32
      %mul3A_134 = arith.constant 80 : i32
      %mul3A_135 = arith.muli %mul3A_133, %mul3A_134 : i32
      %dma_wait3A_136 = tpu.memref_slice %arg7[%mul3A_135] : memref<10000xi32, #tpu.memory_space<vmem>> -> memref<80xi32, #tpu.memory_space<vmem>>
      %dma_wait3A_137 = arith.constant 0 : i32
      %dma_wait3A_138 = arith.constant 0 : i32
      %dma_wait3A_139 = tpu.memref_slice %arg2[%dma_wait3A_137, %dma_wait3A_138] : memref<10000x128xf32, #tpu.memory_space<hbm>> -> memref<10000x128xf32, #tpu.memory_space<hbm>>
      tpu.wait_indirect_dma semaphore(%arg13 : memref<!tpu.dma_semaphore, #tpu.memory_space<semaphore_mem>>) src(%dma_wait3A_139 : memref<10000x128xf32, #tpu.memory_space<hbm>>) dst(%arg9 : memref<80x128xf32, #tpu.memory_space<vmem>>)
      %dma_wait3A_140 = arith.constant 0 : i32
      %dma_wait3A_141 = arith.constant 0 : i32
      %dma_wait3A_142 = arith.constant 0 : i32
      %dma_wait3A_143 = tpu.memref_slice %arg8[%dma_wait3A_140, %dma_wait3A_141, %dma_wait3A_142] : memref<3x1x80xi32, #tpu.memory_space<vmem>> -> memref<1x1x80xi32, #tpu.memory_space<vmem>>
      %dma_wait3A_144 = tpu.memref_squeeze %dma_wait3A_143 : memref<1x1x80xi32, #tpu.memory_space<vmem>> -> memref<1x80xi32, #tpu.memory_space<vmem>>
      %dma_wait3A_145 = arith.constant 0 : i32
      %dma_wait3A_146 = arith.constant 0 : i32
      %dma_wait3A_147 = tpu.memref_slice %arg4[%add3A, %mul3A_133, %dma_wait3A_145, %dma_wait3A_146] : memref<32x125x1x80xi32, #tpu.memory_space<hbm>> -> memref<1x1x1x80xi32, #tpu.memory_space<hbm>>
      %dma_wait3A_148 = tpu.memref_squeeze %dma_wait3A_147 : memref<1x1x1x80xi32, #tpu.memory_space<hbm>> -> memref<1x80xi32, #tpu.memory_space<hbm>>
      %dma_wait3A_149 = arith.constant 0 : i32
      %dma_wait3A_150 = arith.constant 0 : i32
      %dma_wait3A_151 = tpu.memref_slice %arg8[%dma_wait3A_140, %dma_wait3A_149, %dma_wait3A_150] : memref<3x1x80xi32, #tpu.memory_space<vmem>> -> memref<1x1x80xi32, #tpu.memory_space<vmem>>
      %dma_wait3A_152 = tpu.memref_squeeze %dma_wait3A_151 : memref<1x1x80xi32, #tpu.memory_space<vmem>> -> memref<1x80xi32, #tpu.memory_space<vmem>>
      %dma_wait3A_153 = arith.constant 0 : i32
      %dma_wait3A_154 = arith.constant 0 : i32
      %dma_wait3A_155 = tpu.memref_slice %arg4[%add3A, %mul3A_133, %dma_wait3A_153, %dma_wait3A_154] : memref<32x125x1x80xi32, #tpu.memory_space<hbm>> -> memref<1x1x1x80xi32, #tpu.memory_space<hbm>>
      %dma_wait3A_156 = tpu.memref_squeeze %dma_wait3A_155 : memref<1x1x1x80xi32, #tpu.memory_space<hbm>> -> memref<1x80xi32, #tpu.memory_space<hbm>>
      tpu.wait_dma2 semaphore(%arg16 : memref<!tpu.dma_semaphore, #tpu.memory_space<semaphore_mem>>) src(%dma_wait3A_156 : memref<1x80xi32, #tpu.memory_space<hbm>>) dst(%dma_wait3A_152 : memref<1x80xi32, #tpu.memory_space<vmem>>)
      %run_scoped3A_157 = arith.constant 0 : i32
      %run_scoped3A_158 = arith.constant 0 : i32
      "tpu.region"() ({
        %run_scoped3A_231 = tpu.sem_alloc : memref<!tpu.dma_semaphore, #tpu.memory_space<semaphore_mem>>
        %dma_start3A_232 = arith.constant 0 : i32
        %dma_start3A_233 = tpu.memref_slice %arg8[%run_scoped3A_157, %run_scoped3A_158, %dma_start3A_232] : memref<3x1x80xi32, #tpu.memory_space<vmem>> -> memref<1x1x80xi32, #tpu.memory_space<vmem>>
        %dma_start3A_234 = tpu.memref_squeeze %dma_start3A_233 : memref<1x1x80xi32, #tpu.memory_space<vmem>> -> memref<80xi32, #tpu.memory_space<vmem>>
        %dma_start3A_235 = arith.constant 0 : i32
        %dma_start3A_236 = arith.constant 0 : i32
        %dma_start3A_237 = tpu.memref_slice %arg12[%dma_start3A_235, %dma_start3A_236] : memref<10112x128xf32, #tpu.memory_space<vmem_shared>> -> memref<10112x128xf32, #tpu.memory_space<vmem_shared>>
        tpu.enqueue_indirect_dma source(%arg9 : memref<80x128xf32, #tpu.memory_space<vmem>>) target(%dma_start3A_237 : memref<10112x128xf32, #tpu.memory_space<vmem_shared>>) offsets(%dma_start3A_234 : memref<80xi32, #tpu.memory_space<vmem>>) semaphore(%run_scoped3A_231 : memref<!tpu.dma_semaphore, #tpu.memory_space<semaphore_mem>>) {add = true}
        %dma_wait3A_238 = arith.constant 0 : i32
        %dma_wait3A_239 = tpu.memref_slice %arg8[%run_scoped3A_157, %run_scoped3A_158, %dma_wait3A_238] : memref<3x1x80xi32, #tpu.memory_space<vmem>> -> memref<1x1x80xi32, #tpu.memory_space<vmem>>
        %dma_wait3A_240 = tpu.memref_squeeze %dma_wait3A_239 : memref<1x1x80xi32, #tpu.memory_space<vmem>> -> memref<80xi32, #tpu.memory_space<vmem>>
        %dma_wait3A_241 = arith.constant 0 : i32
        %dma_wait3A_242 = arith.constant 0 : i32
        %dma_wait3A_243 = tpu.memref_slice %arg12[%dma_wait3A_241, %dma_wait3A_242] : memref<10112x128xf32, #tpu.memory_space<vmem_shared>> -> memref<10112x128xf32, #tpu.memory_space<vmem_shared>>
        tpu.wait_indirect_dma semaphore(%run_scoped3A_231 : memref<!tpu.dma_semaphore, #tpu.memory_space<semaphore_mem>>) src(%arg9 : memref<80x128xf32, #tpu.memory_space<vmem>>) dst(%dma_wait3A_243 : memref<10112x128xf32, #tpu.memory_space<vmem_shared>>)
        tpu.yield
      }) : () -> ()
      %add3A_159 = arith.constant 3 : i32
      %add3A_160 = arith.addi %mul3A_133, %add3A_159 : i32
      %lt3A = arith.constant 125 : i32
      %lt3A_161 = arith.cmpi slt, %add3A_160, %lt3A : i32
      %convert_element_type3A = arith.extui %lt3A_161 : i1 to i32
      %cond3A = arith.constant 0 : i32
      %cond3A_162 = arith.cmpi ne, %convert_element_type3A, %cond3A : i32
      scf.if %cond3A_162 {
        %add3A_231 = arith.constant 3 : i32
        %add3A_232 = arith.addi %mul3A_133, %add3A_231 : i32
        %dma_start3A_233 = arith.constant 0 : i32
        %dma_start3A_234 = arith.constant 0 : i32
        %dma_start3A_235 = arith.constant 0 : i32
        %dma_start3A_236 = tpu.memref_slice %arg8[%dma_start3A_233, %dma_start3A_234, %dma_start3A_235] : memref<3x1x80xi32, #tpu.memory_space<vmem>> -> memref<1x1x80xi32, #tpu.memory_space<vmem>>
        %dma_start3A_237 = tpu.memref_squeeze %dma_start3A_236 : memref<1x1x80xi32, #tpu.memory_space<vmem>> -> memref<1x80xi32, #tpu.memory_space<vmem>>
        %dma_start3A_238 = arith.constant 0 : i32
        %dma_start3A_239 = arith.constant 0 : i32
        %dma_start3A_240 = tpu.memref_slice %arg4[%add3A, %add3A_232, %dma_start3A_238, %dma_start3A_239] : memref<32x125x1x80xi32, #tpu.memory_space<hbm>> -> memref<1x1x1x80xi32, #tpu.memory_space<hbm>>
        %dma_start3A_241 = tpu.memref_squeeze %dma_start3A_240 : memref<1x1x1x80xi32, #tpu.memory_space<hbm>> -> memref<1x80xi32, #tpu.memory_space<hbm>>
        %dma_start3A_242 = arith.constant 0 : i32
        %dma_start3A_243 = arith.constant 0 : i32
        %dma_start3A_244 = tpu.memref_slice %arg8[%dma_start3A_233, %dma_start3A_242, %dma_start3A_243] : memref<3x1x80xi32, #tpu.memory_space<vmem>> -> memref<1x1x80xi32, #tpu.memory_space<vmem>>
        %dma_start3A_245 = tpu.memref_squeeze %dma_start3A_244 : memref<1x1x80xi32, #tpu.memory_space<vmem>> -> memref<1x80xi32, #tpu.memory_space<vmem>>
        %dma_start3A_246 = arith.constant 0 : i32
        %dma_start3A_247 = arith.constant 0 : i32
        %dma_start3A_248 = tpu.memref_slice %arg4[%add3A, %add3A_232, %dma_start3A_246, %dma_start3A_247] : memref<32x125x1x80xi32, #tpu.memory_space<hbm>> -> memref<1x1x1x80xi32, #tpu.memory_space<hbm>>
        %dma_start3A_249 = tpu.memref_squeeze %dma_start3A_248 : memref<1x1x1x80xi32, #tpu.memory_space<hbm>> -> memref<1x80xi32, #tpu.memory_space<hbm>>
        tpu.enqueue_dma source(%dma_start3A_249 : memref<1x80xi32, #tpu.memory_space<hbm>>) target(%dma_start3A_245 : memref<1x80xi32, #tpu.memory_space<vmem>>) target_semaphore(%arg16 : memref<!tpu.dma_semaphore, #tpu.memory_space<semaphore_mem>>)
        %mul3A_250 = arith.constant 80 : i32
        %mul3A_251 = arith.muli %add3A_232, %mul3A_250 : i32
        %dma_start3A_252 = tpu.memref_slice %arg7[%mul3A_251] : memref<10000xi32, #tpu.memory_space<vmem>> -> memref<80xi32, #tpu.memory_space<vmem>>
        %dma_start3A_253 = arith.constant 0 : i32
        %dma_start3A_254 = arith.constant 0 : i32
        %dma_start3A_255 = tpu.memref_slice %arg2[%dma_start3A_253, %dma_start3A_254] : memref<10000x128xf32, #tpu.memory_space<hbm>> -> memref<10000x128xf32, #tpu.memory_space<hbm>>
        tpu.enqueue_indirect_dma source(%dma_start3A_255 : memref<10000x128xf32, #tpu.memory_space<hbm>>) target(%arg9 : memref<80x128xf32, #tpu.memory_space<vmem>>) offsets(%dma_start3A_252 : memref<80xi32, #tpu.memory_space<vmem>>) semaphore(%arg13 : memref<!tpu.dma_semaphore, #tpu.memory_space<semaphore_mem>>)
      } else {
      }
      %add3A_163 = arith.constant 1 : i32
      %add3A_164 = arith.addi %mul3A_133, %add3A_163 : i32
      %mul3A_165 = arith.constant 80 : i32
      %mul3A_166 = arith.muli %add3A_164, %mul3A_165 : i32
      %dma_wait3A_167 = tpu.memref_slice %arg7[%mul3A_166] : memref<10000xi32, #tpu.memory_space<vmem>> -> memref<80xi32, #tpu.memory_space<vmem>>
      %dma_wait3A_168 = arith.constant 0 : i32
      %dma_wait3A_169 = arith.constant 0 : i32
      %dma_wait3A_170 = tpu.memref_slice %arg2[%dma_wait3A_168, %dma_wait3A_169] : memref<10000x128xf32, #tpu.memory_space<hbm>> -> memref<10000x128xf32, #tpu.memory_space<hbm>>
      tpu.wait_indirect_dma semaphore(%arg14 : memref<!tpu.dma_semaphore, #tpu.memory_space<semaphore_mem>>) src(%dma_wait3A_170 : memref<10000x128xf32, #tpu.memory_space<hbm>>) dst(%arg10 : memref<80x128xf32, #tpu.memory_space<vmem>>)
      %dma_wait3A_171 = arith.constant 1 : i32
      %dma_wait3A_172 = arith.constant 0 : i32
      %dma_wait3A_173 = arith.constant 0 : i32
      %dma_wait3A_174 = tpu.memref_slice %arg8[%dma_wait3A_171, %dma_wait3A_172, %dma_wait3A_173] : memref<3x1x80xi32, #tpu.memory_space<vmem>> -> memref<1x1x80xi32, #tpu.memory_space<vmem>>
      %dma_wait3A_175 = tpu.memref_squeeze %dma_wait3A_174 : memref<1x1x80xi32, #tpu.memory_space<vmem>> -> memref<1x80xi32, #tpu.memory_space<vmem>>
      %dma_wait3A_176 = arith.constant 0 : i32
      %dma_wait3A_177 = arith.constant 0 : i32
      %dma_wait3A_178 = tpu.memref_slice %arg4[%add3A, %add3A_164, %dma_wait3A_176, %dma_wait3A_177] : memref<32x125x1x80xi32, #tpu.memory_space<hbm>> -> memref<1x1x1x80xi32, #tpu.memory_space<hbm>>
      %dma_wait3A_179 = tpu.memref_squeeze %dma_wait3A_178 : memref<1x1x1x80xi32, #tpu.memory_space<hbm>> -> memref<1x80xi32, #tpu.memory_space<hbm>>
      %dma_wait3A_180 = arith.constant 0 : i32
      %dma_wait3A_181 = arith.constant 0 : i32
      %dma_wait3A_182 = tpu.memref_slice %arg8[%dma_wait3A_171, %dma_wait3A_180, %dma_wait3A_181] : memref<3x1x80xi32, #tpu.memory_space<vmem>> -> memref<1x1x80xi32, #tpu.memory_space<vmem>>
      %dma_wait3A_183 = tpu.memref_squeeze %dma_wait3A_182 : memref<1x1x80xi32, #tpu.memory_space<vmem>> -> memref<1x80xi32, #tpu.memory_space<vmem>>
      %dma_wait3A_184 = arith.constant 0 : i32
      %dma_wait3A_185 = arith.constant 0 : i32
      %dma_wait3A_186 = tpu.memref_slice %arg4[%add3A, %add3A_164, %dma_wait3A_184, %dma_wait3A_185] : memref<32x125x1x80xi32, #tpu.memory_space<hbm>> -> memref<1x1x1x80xi32, #tpu.memory_space<hbm>>
      %dma_wait3A_187 = tpu.memref_squeeze %dma_wait3A_186 : memref<1x1x1x80xi32, #tpu.memory_space<hbm>> -> memref<1x80xi32, #tpu.memory_space<hbm>>
      tpu.wait_dma2 semaphore(%arg17 : memref<!tpu.dma_semaphore, #tpu.memory_space<semaphore_mem>>) src(%dma_wait3A_187 : memref<1x80xi32, #tpu.memory_space<hbm>>) dst(%dma_wait3A_183 : memref<1x80xi32, #tpu.memory_space<vmem>>)
      %run_scoped3A_188 = arith.constant 1 : i32
      %run_scoped3A_189 = arith.constant 0 : i32
      "tpu.region"() ({
        %run_scoped3A_231 = tpu.sem_alloc : memref<!tpu.dma_semaphore, #tpu.memory_space<semaphore_mem>>
        %dma_start3A_232 = arith.constant 0 : i32
        %dma_start3A_233 = tpu.memref_slice %arg8[%run_scoped3A_188, %run_scoped3A_189, %dma_start3A_232] : memref<3x1x80xi32, #tpu.memory_space<vmem>> -> memref<1x1x80xi32, #tpu.memory_space<vmem>>
        %dma_start3A_234 = tpu.memref_squeeze %dma_start3A_233 : memref<1x1x80xi32, #tpu.memory_space<vmem>> -> memref<80xi32, #tpu.memory_space<vmem>>
        %dma_start3A_235 = arith.constant 0 : i32
        %dma_start3A_236 = arith.constant 0 : i32
        %dma_start3A_237 = tpu.memref_slice %arg12[%dma_start3A_235, %dma_start3A_236] : memref<10112x128xf32, #tpu.memory_space<vmem_shared>> -> memref<10112x128xf32, #tpu.memory_space<vmem_shared>>
        tpu.enqueue_indirect_dma source(%arg10 : memref<80x128xf32, #tpu.memory_space<vmem>>) target(%dma_start3A_237 : memref<10112x128xf32, #tpu.memory_space<vmem_shared>>) offsets(%dma_start3A_234 : memref<80xi32, #tpu.memory_space<vmem>>) semaphore(%run_scoped3A_231 : memref<!tpu.dma_semaphore, #tpu.memory_space<semaphore_mem>>) {add = true}
        %dma_wait3A_238 = arith.constant 0 : i32
        %dma_wait3A_239 = tpu.memref_slice %arg8[%run_scoped3A_188, %run_scoped3A_189, %dma_wait3A_238] : memref<3x1x80xi32, #tpu.memory_space<vmem>> -> memref<1x1x80xi32, #tpu.memory_space<vmem>>
        %dma_wait3A_240 = tpu.memref_squeeze %dma_wait3A_239 : memref<1x1x80xi32, #tpu.memory_space<vmem>> -> memref<80xi32, #tpu.memory_space<vmem>>
        %dma_wait3A_241 = arith.constant 0 : i32
        %dma_wait3A_242 = arith.constant 0 : i32
        %dma_wait3A_243 = tpu.memref_slice %arg12[%dma_wait3A_241, %dma_wait3A_242] : memref<10112x128xf32, #tpu.memory_space<vmem_shared>> -> memref<10112x128xf32, #tpu.memory_space<vmem_shared>>
        tpu.wait_indirect_dma semaphore(%run_scoped3A_231 : memref<!tpu.dma_semaphore, #tpu.memory_space<semaphore_mem>>) src(%arg10 : memref<80x128xf32, #tpu.memory_space<vmem>>) dst(%dma_wait3A_243 : memref<10112x128xf32, #tpu.memory_space<vmem_shared>>)
        tpu.yield
      }) : () -> ()
      %add3A_190 = arith.constant 3 : i32
      %add3A_191 = arith.addi %add3A_164, %add3A_190 : i32
      %lt3A_192 = arith.constant 125 : i32
      %lt3A_193 = arith.cmpi slt, %add3A_191, %lt3A_192 : i32
      %convert_element_type3A_194 = arith.extui %lt3A_193 : i1 to i32
      %cond3A_195 = arith.constant 0 : i32
      %cond3A_196 = arith.cmpi ne, %convert_element_type3A_194, %cond3A_195 : i32
      scf.if %cond3A_196 {
        %add3A_231 = arith.constant 3 : i32
        %add3A_232 = arith.addi %add3A_164, %add3A_231 : i32
        %dma_start3A_233 = arith.constant 1 : i32
        %dma_start3A_234 = arith.constant 0 : i32
        %dma_start3A_235 = arith.constant 0 : i32
        %dma_start3A_236 = tpu.memref_slice %arg8[%dma_start3A_233, %dma_start3A_234, %dma_start3A_235] : memref<3x1x80xi32, #tpu.memory_space<vmem>> -> memref<1x1x80xi32, #tpu.memory_space<vmem>>
        %dma_start3A_237 = tpu.memref_squeeze %dma_start3A_236 : memref<1x1x80xi32, #tpu.memory_space<vmem>> -> memref<1x80xi32, #tpu.memory_space<vmem>>
        %dma_start3A_238 = arith.constant 0 : i32
        %dma_start3A_239 = arith.constant 0 : i32
        %dma_start3A_240 = tpu.memref_slice %arg4[%add3A, %add3A_232, %dma_start3A_238, %dma_start3A_239] : memref<32x125x1x80xi32, #tpu.memory_space<hbm>> -> memref<1x1x1x80xi32, #tpu.memory_space<hbm>>
        %dma_start3A_241 = tpu.memref_squeeze %dma_start3A_240 : memref<1x1x1x80xi32, #tpu.memory_space<hbm>> -> memref<1x80xi32, #tpu.memory_space<hbm>>
        %dma_start3A_242 = arith.constant 0 : i32
        %dma_start3A_243 = arith.constant 0 : i32
        %dma_start3A_244 = tpu.memref_slice %arg8[%dma_start3A_233, %dma_start3A_242, %dma_start3A_243] : memref<3x1x80xi32, #tpu.memory_space<vmem>> -> memref<1x1x80xi32, #tpu.memory_space<vmem>>
        %dma_start3A_245 = tpu.memref_squeeze %dma_start3A_244 : memref<1x1x80xi32, #tpu.memory_space<vmem>> -> memref<1x80xi32, #tpu.memory_space<vmem>>
        %dma_start3A_246 = arith.constant 0 : i32
        %dma_start3A_247 = arith.constant 0 : i32
        %dma_start3A_248 = tpu.memref_slice %arg4[%add3A, %add3A_232, %dma_start3A_246, %dma_start3A_247] : memref<32x125x1x80xi32, #tpu.memory_space<hbm>> -> memref<1x1x1x80xi32, #tpu.memory_space<hbm>>
        %dma_start3A_249 = tpu.memref_squeeze %dma_start3A_248 : memref<1x1x1x80xi32, #tpu.memory_space<hbm>> -> memref<1x80xi32, #tpu.memory_space<hbm>>
        tpu.enqueue_dma source(%dma_start3A_249 : memref<1x80xi32, #tpu.memory_space<hbm>>) target(%dma_start3A_245 : memref<1x80xi32, #tpu.memory_space<vmem>>) target_semaphore(%arg17 : memref<!tpu.dma_semaphore, #tpu.memory_space<semaphore_mem>>)
        %mul3A_250 = arith.constant 80 : i32
        %mul3A_251 = arith.muli %add3A_232, %mul3A_250 : i32
        %dma_start3A_252 = tpu.memref_slice %arg7[%mul3A_251] : memref<10000xi32, #tpu.memory_space<vmem>> -> memref<80xi32, #tpu.memory_space<vmem>>
        %dma_start3A_253 = arith.constant 0 : i32
        %dma_start3A_254 = arith.constant 0 : i32
        %dma_start3A_255 = tpu.memref_slice %arg2[%dma_start3A_253, %dma_start3A_254] : memref<10000x128xf32, #tpu.memory_space<hbm>> -> memref<10000x128xf32, #tpu.memory_space<hbm>>
        tpu.enqueue_indirect_dma source(%dma_start3A_255 : memref<10000x128xf32, #tpu.memory_space<hbm>>) target(%arg10 : memref<80x128xf32, #tpu.memory_space<vmem>>) offsets(%dma_start3A_252 : memref<80xi32, #tpu.memory_space<vmem>>) semaphore(%arg14 : memref<!tpu.dma_semaphore, #tpu.memory_space<semaphore_mem>>)
      } else {
      }
      %add3A_197 = arith.constant 2 : i32
      %add3A_198 = arith.addi %mul3A_133, %add3A_197 : i32
      %mul3A_199 = arith.constant 80 : i32
      %mul3A_200 = arith.muli %add3A_198, %mul3A_199 : i32
      %dma_wait3A_201 = tpu.memref_slice %arg7[%mul3A_200] : memref<10000xi32, #tpu.memory_space<vmem>> -> memref<80xi32, #tpu.memory_space<vmem>>
      %dma_wait3A_202 = arith.constant 0 : i32
      %dma_wait3A_203 = arith.constant 0 : i32
      %dma_wait3A_204 = tpu.memref_slice %arg2[%dma_wait3A_202, %dma_wait3A_203] : memref<10000x128xf32, #tpu.memory_space<hbm>> -> memref<10000x128xf32, #tpu.memory_space<hbm>>
      tpu.wait_indirect_dma semaphore(%arg15 : memref<!tpu.dma_semaphore, #tpu.memory_space<semaphore_mem>>) src(%dma_wait3A_204 : memref<10000x128xf32, #tpu.memory_space<hbm>>) dst(%arg11 : memref<80x128xf32, #tpu.memory_space<vmem>>)
      %dma_wait3A_205 = arith.constant 2 : i32
      %dma_wait3A_206 = arith.constant 0 : i32
      %dma_wait3A_207 = arith.constant 0 : i32
      %dma_wait3A_208 = tpu.memref_slice %arg8[%dma_wait3A_205, %dma_wait3A_206, %dma_wait3A_207] : memref<3x1x80xi32, #tpu.memory_space<vmem>> -> memref<1x1x80xi32, #tpu.memory_space<vmem>>
      %dma_wait3A_209 = tpu.memref_squeeze %dma_wait3A_208 : memref<1x1x80xi32, #tpu.memory_space<vmem>> -> memref<1x80xi32, #tpu.memory_space<vmem>>
      %dma_wait3A_210 = arith.constant 0 : i32
      %dma_wait3A_211 = arith.constant 0 : i32
      %dma_wait3A_212 = tpu.memref_slice %arg4[%add3A, %add3A_198, %dma_wait3A_210, %dma_wait3A_211] : memref<32x125x1x80xi32, #tpu.memory_space<hbm>> -> memref<1x1x1x80xi32, #tpu.memory_space<hbm>>
      %dma_wait3A_213 = tpu.memref_squeeze %dma_wait3A_212 : memref<1x1x1x80xi32, #tpu.memory_space<hbm>> -> memref<1x80xi32, #tpu.memory_space<hbm>>
      %dma_wait3A_214 = arith.constant 0 : i32
      %dma_wait3A_215 = arith.constant 0 : i32
      %dma_wait3A_216 = tpu.memref_slice %arg8[%dma_wait3A_205, %dma_wait3A_214, %dma_wait3A_215] : memref<3x1x80xi32, #tpu.memory_space<vmem>> -> memref<1x1x80xi32, #tpu.memory_space<vmem>>
      %dma_wait3A_217 = tpu.memref_squeeze %dma_wait3A_216 : memref<1x1x80xi32, #tpu.memory_space<vmem>> -> memref<1x80xi32, #tpu.memory_space<vmem>>
      %dma_wait3A_218 = arith.constant 0 : i32
      %dma_wait3A_219 = arith.constant 0 : i32
      %dma_wait3A_220 = tpu.memref_slice %arg4[%add3A, %add3A_198, %dma_wait3A_218, %dma_wait3A_219] : memref<32x125x1x80xi32, #tpu.memory_space<hbm>> -> memref<1x1x1x80xi32, #tpu.memory_space<hbm>>
      %dma_wait3A_221 = tpu.memref_squeeze %dma_wait3A_220 : memref<1x1x1x80xi32, #tpu.memory_space<hbm>> -> memref<1x80xi32, #tpu.memory_space<hbm>>
      tpu.wait_dma2 semaphore(%arg18 : memref<!tpu.dma_semaphore, #tpu.memory_space<semaphore_mem>>) src(%dma_wait3A_221 : memref<1x80xi32, #tpu.memory_space<hbm>>) dst(%dma_wait3A_217 : memref<1x80xi32, #tpu.memory_space<vmem>>)
      %run_scoped3A_222 = arith.constant 2 : i32
      %run_scoped3A_223 = arith.constant 0 : i32
      "tpu.region"() ({
        %run_scoped3A_231 = tpu.sem_alloc : memref<!tpu.dma_semaphore, #tpu.memory_space<semaphore_mem>>
        %dma_start3A_232 = arith.constant 0 : i32
        %dma_start3A_233 = tpu.memref_slice %arg8[%run_scoped3A_222, %run_scoped3A_223, %dma_start3A_232] : memref<3x1x80xi32, #tpu.memory_space<vmem>> -> memref<1x1x80xi32, #tpu.memory_space<vmem>>
        %dma_start3A_234 = tpu.memref_squeeze %dma_start3A_233 : memref<1x1x80xi32, #tpu.memory_space<vmem>> -> memref<80xi32, #tpu.memory_space<vmem>>
        %dma_start3A_235 = arith.constant 0 : i32
        %dma_start3A_236 = arith.constant 0 : i32
        %dma_start3A_237 = tpu.memref_slice %arg12[%dma_start3A_235, %dma_start3A_236] : memref<10112x128xf32, #tpu.memory_space<vmem_shared>> -> memref<10112x128xf32, #tpu.memory_space<vmem_shared>>
        tpu.enqueue_indirect_dma source(%arg11 : memref<80x128xf32, #tpu.memory_space<vmem>>) target(%dma_start3A_237 : memref<10112x128xf32, #tpu.memory_space<vmem_shared>>) offsets(%dma_start3A_234 : memref<80xi32, #tpu.memory_space<vmem>>) semaphore(%run_scoped3A_231 : memref<!tpu.dma_semaphore, #tpu.memory_space<semaphore_mem>>) {add = true}
        %dma_wait3A_238 = arith.constant 0 : i32
        %dma_wait3A_239 = tpu.memref_slice %arg8[%run_scoped3A_222, %run_scoped3A_223, %dma_wait3A_238] : memref<3x1x80xi32, #tpu.memory_space<vmem>> -> memref<1x1x80xi32, #tpu.memory_space<vmem>>
        %dma_wait3A_240 = tpu.memref_squeeze %dma_wait3A_239 : memref<1x1x80xi32, #tpu.memory_space<vmem>> -> memref<80xi32, #tpu.memory_space<vmem>>
        %dma_wait3A_241 = arith.constant 0 : i32
        %dma_wait3A_242 = arith.constant 0 : i32
        %dma_wait3A_243 = tpu.memref_slice %arg12[%dma_wait3A_241, %dma_wait3A_242] : memref<10112x128xf32, #tpu.memory_space<vmem_shared>> -> memref<10112x128xf32, #tpu.memory_space<vmem_shared>>
        tpu.wait_indirect_dma semaphore(%run_scoped3A_231 : memref<!tpu.dma_semaphore, #tpu.memory_space<semaphore_mem>>) src(%arg11 : memref<80x128xf32, #tpu.memory_space<vmem>>) dst(%dma_wait3A_243 : memref<10112x128xf32, #tpu.memory_space<vmem_shared>>)
        tpu.yield
      }) : () -> ()
      %add3A_224 = arith.constant 3 : i32
      %add3A_225 = arith.addi %add3A_198, %add3A_224 : i32
      %lt3A_226 = arith.constant 125 : i32
      %lt3A_227 = arith.cmpi slt, %add3A_225, %lt3A_226 : i32
      %convert_element_type3A_228 = arith.extui %lt3A_227 : i1 to i32
      %cond3A_229 = arith.constant 0 : i32
      %cond3A_230 = arith.cmpi ne, %convert_element_type3A_228, %cond3A_229 : i32
      scf.if %cond3A_230 {
        %add3A_231 = arith.constant 3 : i32
        %add3A_232 = arith.addi %add3A_198, %add3A_231 : i32
        %dma_start3A_233 = arith.constant 2 : i32
        %dma_start3A_234 = arith.constant 0 : i32
        %dma_start3A_235 = arith.constant 0 : i32
        %dma_start3A_236 = tpu.memref_slice %arg8[%dma_start3A_233, %dma_start3A_234, %dma_start3A_235] : memref<3x1x80xi32, #tpu.memory_space<vmem>> -> memref<1x1x80xi32, #tpu.memory_space<vmem>>
        %dma_start3A_237 = tpu.memref_squeeze %dma_start3A_236 : memref<1x1x80xi32, #tpu.memory_space<vmem>> -> memref<1x80xi32, #tpu.memory_space<vmem>>
        %dma_start3A_238 = arith.constant 0 : i32
        %dma_start3A_239 = arith.constant 0 : i32
        %dma_start3A_240 = tpu.memref_slice %arg4[%add3A, %add3A_232, %dma_start3A_238, %dma_start3A_239] : memref<32x125x1x80xi32, #tpu.memory_space<hbm>> -> memref<1x1x1x80xi32, #tpu.memory_space<hbm>>
        %dma_start3A_241 = tpu.memref_squeeze %dma_start3A_240 : memref<1x1x1x80xi32, #tpu.memory_space<hbm>> -> memref<1x80xi32, #tpu.memory_space<hbm>>
        %dma_start3A_242 = arith.constant 0 : i32
        %dma_start3A_243 = arith.constant 0 : i32
        %dma_start3A_244 = tpu.memref_slice %arg8[%dma_start3A_233, %dma_start3A_242, %dma_start3A_243] : memref<3x1x80xi32, #tpu.memory_space<vmem>> -> memref<1x1x80xi32, #tpu.memory_space<vmem>>
        %dma_start3A_245 = tpu.memref_squeeze %dma_start3A_244 : memref<1x1x80xi32, #tpu.memory_space<vmem>> -> memref<1x80xi32, #tpu.memory_space<vmem>>
        %dma_start3A_246 = arith.constant 0 : i32
        %dma_start3A_247 = arith.constant 0 : i32
        %dma_start3A_248 = tpu.memref_slice %arg4[%add3A, %add3A_232, %dma_start3A_246, %dma_start3A_247] : memref<32x125x1x80xi32, #tpu.memory_space<hbm>> -> memref<1x1x1x80xi32, #tpu.memory_space<hbm>>
        %dma_start3A_249 = tpu.memref_squeeze %dma_start3A_248 : memref<1x1x1x80xi32, #tpu.memory_space<hbm>> -> memref<1x80xi32, #tpu.memory_space<hbm>>
        tpu.enqueue_dma source(%dma_start3A_249 : memref<1x80xi32, #tpu.memory_space<hbm>>) target(%dma_start3A_245 : memref<1x80xi32, #tpu.memory_space<vmem>>) target_semaphore(%arg18 : memref<!tpu.dma_semaphore, #tpu.memory_space<semaphore_mem>>)
        %mul3A_250 = arith.constant 80 : i32
        %mul3A_251 = arith.muli %add3A_232, %mul3A_250 : i32
        %dma_start3A_252 = tpu.memref_slice %arg7[%mul3A_251] : memref<10000xi32, #tpu.memory_space<vmem>> -> memref<80xi32, #tpu.memory_space<vmem>>
        %dma_start3A_253 = arith.constant 0 : i32
        %dma_start3A_254 = arith.constant 0 : i32
        %dma_start3A_255 = tpu.memref_slice %arg2[%dma_start3A_253, %dma_start3A_254] : memref<10000x128xf32, #tpu.memory_space<hbm>> -> memref<10000x128xf32, #tpu.memory_space<hbm>>
        tpu.enqueue_indirect_dma source(%dma_start3A_255 : memref<10000x128xf32, #tpu.memory_space<hbm>>) target(%arg11 : memref<80x128xf32, #tpu.memory_space<vmem>>) offsets(%dma_start3A_252 : memref<80xi32, #tpu.memory_space<vmem>>) semaphore(%arg15 : memref<!tpu.dma_semaphore, #tpu.memory_space<semaphore_mem>>)
      } else {
      }
    }
    %scan3A_77 = arith.constant 41 : i32
    %dma_wait3A = arith.constant 9840 : i32
    %dma_wait3A_78 = tpu.memref_slice %arg7[%dma_wait3A] : memref<10000xi32, #tpu.memory_space<vmem>> -> memref<80xi32, #tpu.memory_space<vmem>>
    %dma_wait3A_79 = arith.constant 0 : i32
    %dma_wait3A_80 = arith.constant 0 : i32
    %dma_wait3A_81 = tpu.memref_slice %arg2[%dma_wait3A_79, %dma_wait3A_80] : memref<10000x128xf32, #tpu.memory_space<hbm>> -> memref<10000x128xf32, #tpu.memory_space<hbm>>
    tpu.wait_indirect_dma semaphore(%arg13 : memref<!tpu.dma_semaphore, #tpu.memory_space<semaphore_mem>>) src(%dma_wait3A_81 : memref<10000x128xf32, #tpu.memory_space<hbm>>) dst(%arg9 : memref<80x128xf32, #tpu.memory_space<vmem>>)
    %dma_wait3A_82 = arith.constant 123 : i32
    %dma_wait3A_83 = arith.constant 0 : i32
    %dma_wait3A_84 = arith.constant 0 : i32
    %dma_wait3A_85 = arith.constant 0 : i32
    %dma_wait3A_86 = tpu.memref_slice %arg8[%dma_wait3A_83, %dma_wait3A_84, %dma_wait3A_85] : memref<3x1x80xi32, #tpu.memory_space<vmem>> -> memref<1x1x80xi32, #tpu.memory_space<vmem>>
    %dma_wait3A_87 = tpu.memref_squeeze %dma_wait3A_86 : memref<1x1x80xi32, #tpu.memory_space<vmem>> -> memref<1x80xi32, #tpu.memory_space<vmem>>
    %dma_wait3A_88 = arith.constant 0 : i32
    %dma_wait3A_89 = arith.constant 0 : i32
    %dma_wait3A_90 = tpu.memref_slice %arg4[%add3A, %dma_wait3A_82, %dma_wait3A_88, %dma_wait3A_89] : memref<32x125x1x80xi32, #tpu.memory_space<hbm>> -> memref<1x1x1x80xi32, #tpu.memory_space<hbm>>
    %dma_wait3A_91 = tpu.memref_squeeze %dma_wait3A_90 : memref<1x1x1x80xi32, #tpu.memory_space<hbm>> -> memref<1x80xi32, #tpu.memory_space<hbm>>
    %dma_wait3A_92 = arith.constant 0 : i32
    %dma_wait3A_93 = arith.constant 0 : i32
    %dma_wait3A_94 = tpu.memref_slice %arg8[%dma_wait3A_83, %dma_wait3A_92, %dma_wait3A_93] : memref<3x1x80xi32, #tpu.memory_space<vmem>> -> memref<1x1x80xi32, #tpu.memory_space<vmem>>
    %dma_wait3A_95 = tpu.memref_squeeze %dma_wait3A_94 : memref<1x1x80xi32, #tpu.memory_space<vmem>> -> memref<1x80xi32, #tpu.memory_space<vmem>>
    %dma_wait3A_96 = arith.constant 0 : i32
    %dma_wait3A_97 = arith.constant 0 : i32
    %dma_wait3A_98 = tpu.memref_slice %arg4[%add3A, %dma_wait3A_82, %dma_wait3A_96, %dma_wait3A_97] : memref<32x125x1x80xi32, #tpu.memory_space<hbm>> -> memref<1x1x1x80xi32, #tpu.memory_space<hbm>>
    %dma_wait3A_99 = tpu.memref_squeeze %dma_wait3A_98 : memref<1x1x1x80xi32, #tpu.memory_space<hbm>> -> memref<1x80xi32, #tpu.memory_space<hbm>>
    tpu.wait_dma2 semaphore(%arg16 : memref<!tpu.dma_semaphore, #tpu.memory_space<semaphore_mem>>) src(%dma_wait3A_99 : memref<1x80xi32, #tpu.memory_space<hbm>>) dst(%dma_wait3A_95 : memref<1x80xi32, #tpu.memory_space<vmem>>)
    %run_scoped3A = arith.constant 0 : i32
    %run_scoped3A_100 = arith.constant 0 : i32
    "tpu.region"() ({
      %run_scoped3A_131 = tpu.sem_alloc : memref<!tpu.dma_semaphore, #tpu.memory_space<semaphore_mem>>
      %dma_start3A_132 = arith.constant 0 : i32
      %dma_start3A_133 = tpu.memref_slice %arg8[%run_scoped3A, %run_scoped3A_100, %dma_start3A_132] : memref<3x1x80xi32, #tpu.memory_space<vmem>> -> memref<1x1x80xi32, #tpu.memory_space<vmem>>
      %dma_start3A_134 = tpu.memref_squeeze %dma_start3A_133 : memref<1x1x80xi32, #tpu.memory_space<vmem>> -> memref<80xi32, #tpu.memory_space<vmem>>
      %dma_start3A_135 = arith.constant 0 : i32
      %dma_start3A_136 = arith.constant 0 : i32
      %dma_start3A_137 = tpu.memref_slice %arg12[%dma_start3A_135, %dma_start3A_136] : memref<10112x128xf32, #tpu.memory_space<vmem_shared>> -> memref<10112x128xf32, #tpu.memory_space<vmem_shared>>
      tpu.enqueue_indirect_dma source(%arg9 : memref<80x128xf32, #tpu.memory_space<vmem>>) target(%dma_start3A_137 : memref<10112x128xf32, #tpu.memory_space<vmem_shared>>) offsets(%dma_start3A_134 : memref<80xi32, #tpu.memory_space<vmem>>) semaphore(%run_scoped3A_131 : memref<!tpu.dma_semaphore, #tpu.memory_space<semaphore_mem>>) {add = true}
      %dma_wait3A_138 = arith.constant 0 : i32
      %dma_wait3A_139 = tpu.memref_slice %arg8[%run_scoped3A, %run_scoped3A_100, %dma_wait3A_138] : memref<3x1x80xi32, #tpu.memory_space<vmem>> -> memref<1x1x80xi32, #tpu.memory_space<vmem>>
      %dma_wait3A_140 = tpu.memref_squeeze %dma_wait3A_139 : memref<1x1x80xi32, #tpu.memory_space<vmem>> -> memref<80xi32, #tpu.memory_space<vmem>>
      %dma_wait3A_141 = arith.constant 0 : i32
      %dma_wait3A_142 = arith.constant 0 : i32
      %dma_wait3A_143 = tpu.memref_slice %arg12[%dma_wait3A_141, %dma_wait3A_142] : memref<10112x128xf32, #tpu.memory_space<vmem_shared>> -> memref<10112x128xf32, #tpu.memory_space<vmem_shared>>
      tpu.wait_indirect_dma semaphore(%run_scoped3A_131 : memref<!tpu.dma_semaphore, #tpu.memory_space<semaphore_mem>>) src(%arg9 : memref<80x128xf32, #tpu.memory_space<vmem>>) dst(%dma_wait3A_143 : memref<10112x128xf32, #tpu.memory_space<vmem_shared>>)
      tpu.yield
    }) : () -> ()
    %dma_wait3A_101 = arith.constant 9920 : i32
    %dma_wait3A_102 = tpu.memref_slice %arg7[%dma_wait3A_101] : memref<10000xi32, #tpu.memory_space<vmem>> -> memref<80xi32, #tpu.memory_space<vmem>>
    %dma_wait3A_103 = arith.constant 0 : i32
    %dma_wait3A_104 = arith.constant 0 : i32
    %dma_wait3A_105 = tpu.memref_slice %arg2[%dma_wait3A_103, %dma_wait3A_104] : memref<10000x128xf32, #tpu.memory_space<hbm>> -> memref<10000x128xf32, #tpu.memory_space<hbm>>
    tpu.wait_indirect_dma semaphore(%arg14 : memref<!tpu.dma_semaphore, #tpu.memory_space<semaphore_mem>>) src(%dma_wait3A_105 : memref<10000x128xf32, #tpu.memory_space<hbm>>) dst(%arg10 : memref<80x128xf32, #tpu.memory_space<vmem>>)
    %dma_wait3A_106 = arith.constant 124 : i32
    %dma_wait3A_107 = arith.constant 1 : i32
    %dma_wait3A_108 = arith.constant 0 : i32
    %dma_wait3A_109 = arith.constant 0 : i32
    %dma_wait3A_110 = tpu.memref_slice %arg8[%dma_wait3A_107, %dma_wait3A_108, %dma_wait3A_109] : memref<3x1x80xi32, #tpu.memory_space<vmem>> -> memref<1x1x80xi32, #tpu.memory_space<vmem>>
    %dma_wait3A_111 = tpu.memref_squeeze %dma_wait3A_110 : memref<1x1x80xi32, #tpu.memory_space<vmem>> -> memref<1x80xi32, #tpu.memory_space<vmem>>
    %dma_wait3A_112 = arith.constant 0 : i32
    %dma_wait3A_113 = arith.constant 0 : i32
    %dma_wait3A_114 = tpu.memref_slice %arg4[%add3A, %dma_wait3A_106, %dma_wait3A_112, %dma_wait3A_113] : memref<32x125x1x80xi32, #tpu.memory_space<hbm>> -> memref<1x1x1x80xi32, #tpu.memory_space<hbm>>
    %dma_wait3A_115 = tpu.memref_squeeze %dma_wait3A_114 : memref<1x1x1x80xi32, #tpu.memory_space<hbm>> -> memref<1x80xi32, #tpu.memory_space<hbm>>
    %dma_wait3A_116 = arith.constant 0 : i32
    %dma_wait3A_117 = arith.constant 0 : i32
    %dma_wait3A_118 = tpu.memref_slice %arg8[%dma_wait3A_107, %dma_wait3A_116, %dma_wait3A_117] : memref<3x1x80xi32, #tpu.memory_space<vmem>> -> memref<1x1x80xi32, #tpu.memory_space<vmem>>
    %dma_wait3A_119 = tpu.memref_squeeze %dma_wait3A_118 : memref<1x1x80xi32, #tpu.memory_space<vmem>> -> memref<1x80xi32, #tpu.memory_space<vmem>>
    %dma_wait3A_120 = arith.constant 0 : i32
    %dma_wait3A_121 = arith.constant 0 : i32
    %dma_wait3A_122 = tpu.memref_slice %arg4[%add3A, %dma_wait3A_106, %dma_wait3A_120, %dma_wait3A_121] : memref<32x125x1x80xi32, #tpu.memory_space<hbm>> -> memref<1x1x1x80xi32, #tpu.memory_space<hbm>>
    %dma_wait3A_123 = tpu.memref_squeeze %dma_wait3A_122 : memref<1x1x1x80xi32, #tpu.memory_space<hbm>> -> memref<1x80xi32, #tpu.memory_space<hbm>>
    tpu.wait_dma2 semaphore(%arg17 : memref<!tpu.dma_semaphore, #tpu.memory_space<semaphore_mem>>) src(%dma_wait3A_123 : memref<1x80xi32, #tpu.memory_space<hbm>>) dst(%dma_wait3A_119 : memref<1x80xi32, #tpu.memory_space<vmem>>)
    %run_scoped3A_124 = arith.constant 1 : i32
    %run_scoped3A_125 = arith.constant 0 : i32
    "tpu.region"() ({
      %run_scoped3A_131 = tpu.sem_alloc : memref<!tpu.dma_semaphore, #tpu.memory_space<semaphore_mem>>
      %dma_start3A_132 = arith.constant 0 : i32
      %dma_start3A_133 = tpu.memref_slice %arg8[%run_scoped3A_124, %run_scoped3A_125, %dma_start3A_132] : memref<3x1x80xi32, #tpu.memory_space<vmem>> -> memref<1x1x80xi32, #tpu.memory_space<vmem>>
      %dma_start3A_134 = tpu.memref_squeeze %dma_start3A_133 : memref<1x1x80xi32, #tpu.memory_space<vmem>> -> memref<80xi32, #tpu.memory_space<vmem>>
      %dma_start3A_135 = arith.constant 0 : i32
      %dma_start3A_136 = arith.constant 0 : i32
      %dma_start3A_137 = tpu.memref_slice %arg12[%dma_start3A_135, %dma_start3A_136] : memref<10112x128xf32, #tpu.memory_space<vmem_shared>> -> memref<10112x128xf32, #tpu.memory_space<vmem_shared>>
      tpu.enqueue_indirect_dma source(%arg10 : memref<80x128xf32, #tpu.memory_space<vmem>>) target(%dma_start3A_137 : memref<10112x128xf32, #tpu.memory_space<vmem_shared>>) offsets(%dma_start3A_134 : memref<80xi32, #tpu.memory_space<vmem>>) semaphore(%run_scoped3A_131 : memref<!tpu.dma_semaphore, #tpu.memory_space<semaphore_mem>>) {add = true}
      %dma_wait3A_138 = arith.constant 0 : i32
      %dma_wait3A_139 = tpu.memref_slice %arg8[%run_scoped3A_124, %run_scoped3A_125, %dma_wait3A_138] : memref<3x1x80xi32, #tpu.memory_space<vmem>> -> memref<1x1x80xi32, #tpu.memory_space<vmem>>
      %dma_wait3A_140 = tpu.memref_squeeze %dma_wait3A_139 : memref<1x1x80xi32, #tpu.memory_space<vmem>> -> memref<80xi32, #tpu.memory_space<vmem>>
      %dma_wait3A_141 = arith.constant 0 : i32
      %dma_wait3A_142 = arith.constant 0 : i32
      %dma_wait3A_143 = tpu.memref_slice %arg12[%dma_wait3A_141, %dma_wait3A_142] : memref<10112x128xf32, #tpu.memory_space<vmem_shared>> -> memref<10112x128xf32, #tpu.memory_space<vmem_shared>>
      tpu.wait_indirect_dma semaphore(%run_scoped3A_131 : memref<!tpu.dma_semaphore, #tpu.memory_space<semaphore_mem>>) src(%arg10 : memref<80x128xf32, #tpu.memory_space<vmem>>) dst(%dma_wait3A_143 : memref<10112x128xf32, #tpu.memory_space<vmem_shared>>)
      tpu.yield
    }) : () -> ()
    %barrier3A_126 = arith.constant 0 : index
    tpu.barrier barrier_id(%barrier3A_126)
    %mul3A_127 = arith.constant 632 : i32
    %mul3A_128 = arith.muli %arg1, %mul3A_127 : i32
    %mul3A_129 = arith.constant 632 : i32
    %mul3A_130 = arith.muli %arg1, %mul3A_129 : i32
    "tpu.region"() ({
      %run_scoped3A_131 = tpu.sem_alloc : memref<!tpu.dma_semaphore, #tpu.memory_space<semaphore_mem>>
      %dma_start3A_132 = arith.constant 0 : i32
      %dma_start3A_133 = tpu.memref_slice %arg6[%arg0, %mul3A_130, %dma_start3A_132] : memref<2x10112x128xf32, #tpu.memory_space<hbm>> -> memref<1x632x128xf32, #tpu.memory_space<hbm>>
      %dma_start3A_134 = tpu.memref_squeeze %dma_start3A_133 : memref<1x632x128xf32, #tpu.memory_space<hbm>> -> memref<632x128xf32, #tpu.memory_space<hbm>>
      %dma_start3A_135 = arith.constant 0 : i32
      %dma_start3A_136 = tpu.memref_slice %arg12[%mul3A_128, %dma_start3A_135] : memref<10112x128xf32, #tpu.memory_space<vmem_shared>> -> memref<632x128xf32, #tpu.memory_space<vmem_shared>>
      tpu.enqueue_dma source(%dma_start3A_136 : memref<632x128xf32, #tpu.memory_space<vmem_shared>>) target(%dma_start3A_134 : memref<632x128xf32, #tpu.memory_space<hbm>>) target_semaphore(%run_scoped3A_131 : memref<!tpu.dma_semaphore, #tpu.memory_space<semaphore_mem>>)
      %dma_wait3A_137 = arith.constant 0 : i32
      %dma_wait3A_138 = tpu.memref_slice %arg6[%arg0, %mul3A_130, %dma_wait3A_137] : memref<2x10112x128xf32, #tpu.memory_space<hbm>> -> memref<1x632x128xf32, #tpu.memory_space<hbm>>
      %dma_wait3A_139 = tpu.memref_squeeze %dma_wait3A_138 : memref<1x632x128xf32, #tpu.memory_space<hbm>> -> memref<632x128xf32, #tpu.memory_space<hbm>>
      %dma_wait3A_140 = arith.constant 0 : i32
      %dma_wait3A_141 = tpu.memref_slice %arg12[%mul3A_128, %dma_wait3A_140] : memref<10112x128xf32, #tpu.memory_space<vmem_shared>> -> memref<632x128xf32, #tpu.memory_space<vmem_shared>>
      tpu.wait_dma2 semaphore(%run_scoped3A_131 : memref<!tpu.dma_semaphore, #tpu.memory_space<semaphore_mem>>) src(%dma_wait3A_141 : memref<632x128xf32, #tpu.memory_space<vmem_shared>>) dst(%dma_wait3A_139 : memref<632x128xf32, #tpu.memory_space<hbm>>)
      tpu.yield
    }) : () -> ()
    return
  }
}

</mosaic_0001>

<sc_bundles>
// kernel: _sc_segment_sum.3.cloned.1.call-start
scs
__scs_entry_jumppad:
0x0: {  	(pc) =	sbr.rel $0x88, $3  }
0x1: {  	(tag) =	ssettag $0x0;
	lr =	simm.s32 $0x1  }
0x2: {  	[smem:$0x3F9D] =	sst lr;
	_ =	strace $0xD0000000  }
0x3: {  	_ = 	snop  }
0x4: {  	_ = 	snop  }
0x5: {  	_ = 	snop  }
0x6: {  	_ = 	snop  }
0x7: {  	_ = 	snop  }
__scs_overlays_trampoline_lowered:
0x8: {  	[smem:$0x3FAC] =	sst s0  }
0x9: {  	[smem:$0x3FAD] =	sst s1  }
0xa: {  	[smem:$0x3FAE] =	sst s2  }
0xb: {  	[smem:$0x3FAF] =	sst s3  }
0xc: {  	[smem:$0x3FB0] =	sst s4  }
0xd: {  	[smem:$0x3FB1] =	sst s5  }
0xe: {  	[smem:$0x3FB2] =	sst s6  }
0xf: {  	[smem:$0x3FB3] =	sst s7  }
0x10: {  	[smem:$0x3FB4] =	sst s8  }
0x11: {  	[smem:$0x3FB5] =	sst s9;
	s0 =	simm.s32 @!p0 $0x0  }
0x12: {  	s1 =	sld [smem:$0x3F9B];
	s0 =	simm.s32 @p0 $0x1  }
0x13: {  	[smem:$0x3FB6] =	sst s0;
	s0 =	simm.s32 @!p1 $0x0  }
0x14: {  	s2 =	sld [smem:$0x3F9A];
	s0 =	simm.s32 @p1 $0x1  }
0x15: {  	[smem:$0x3FB7] =	sst s0;
	s0 =	simm.s32 @!p2 $0x0  }
0x16: {  	s3 =	sld [smem:$0x3FDB];
	s0 =	simm.s32 @p2 $0x1  }
0x17: {  	s4 =	simm.s32 $0x1BF5;
	[smem:$0x3FB9] =	sst s0  }
0x18: {  	s0 =	sld [smem:$0x3F9C];
	_ =	swait.ge [sflag:s4], $0x0  }
0x19: {  	s7 =	sld [smem:$0x3F9D]  }
0x1a: {  	s8 =	sadd.s32 $0xFFFFE003, lr  }
0x1b: {  	s9 =	sadd.s32 $0xFFFFFEF7, lr;
	s5 =	simm.s32 $0xFFFFFFFF;
	p2 =	slt.u32 s8, $0xFFFFF086  }
0x1c: {  	p1 =	slt.u32 s9, $0xF7A;
	s5 =	simm.s32 @!p2 $0x0  }
0x1d: {  	s5 =	simm.s32 @p1 $0x1;
	p0 =	seq.s32 s7, s2  }
0x1e: {  	s7 =	smul.u32 @!p0 $0xF7A, s2;
	p2 =	seq.s32 @!p0 s5, $0x0  }
0x1f: {  	s9 =	smul.u32 $0xF7A, s1;
	s8 =	simm.s32 @!p0 $0x1BF5;
	p2 =	por !p2, p0  }
0x20: {  	[sflag:s8] =	ssyncset.s32 @!p0 $0xFFFFF086;
	s6 =	sadd.s32 @!p0 s3, s7;
	s7 =	simm.s32 @!p0 $0x108  }
0x21: {  	s3 =	sadd.s32 s3, s9;
	s6 =	sadd.s32 @!p0 $0x88, s6;
	s7 =	simm.s32 @p2 $0x1082  }
0x22: {  	[simem:s7], [sflag:s8] =	dma.local @!p0 [hbm:s6], $0xF7A  }
0x23: {  	s9 =	sor.u32 $0xD0000000, s2;
	s6 =	simm.s32 $0x108;
	_ =	swait.ge @!p0 [sflag:s8], $0x0  }
0x24: {  	s3 =	sadd.s32 $0x88, s3;
	s6 =	simm.s32 @!p1 $0x1082;
	[sflag:s4] =	ssyncset.s32 $0xFFFFF086  }
0x25: {  	[simem:s6], [sflag:s4] =	dma.local [hbm:s3], $0xF7A  }
0x26: {  	[smem:$0x3F9D] =	sst s1;
	(tag) =	ssettag s2;
	_ =	strace s9  }
0x27: {  	s1 =	sld [smem:$0x3FAD]  }
0x28: {  	s2 =	sld [smem:$0x3FAE]  }
0x29: {  	s4 =	sld [smem:$0x3FB0]  }
0x2a: {  	p0 =	seq.s32 s5, $0x0;
	s5 =	sld [smem:$0x3FB1]  }
0x2b: {  	s6 =	sld [smem:$0x3FB2]  }
0x2c: {  	s7 =	sld [smem:$0x3FB3]  }
0x2d: {  	s3 =	simm.s32 $0x108;
	s8 =	sld [smem:$0x3FB4]  }
0x2e: {  	s3 =	simm.s32 @!p0 $0x1082;
	s9 =	sld [smem:$0x3FB5]  }
0x2f: {  	lr =	sadd.s32 s0, s3;
	s0 =	sld [smem:$0x3FAC]  }
0x30: {  	s3 =	sld [smem:$0x3FAF]  }
0x31: {  	[smem:$0x3FB8] =	sst s10  }
0x32: {  	s10 =	sld [smem:$0x3FB6];
	_ =	sdelay $0x3  }
0x33: {  	p0 =	seq.s32 s10, $0x1;
	s10 =	sld [smem:$0x3FB8];
	_ =	sdelay $0x3  }
0x34: {  	[smem:$0x3FB8] =	sst s10  }
0x35: {  	s10 =	sld [smem:$0x3FB7];
	_ =	sdelay $0x3  }
0x36: {  	p1 =	seq.s32 s10, $0x1;
	s10 =	sld [smem:$0x3FB8];
	_ =	sdelay $0x3  }
0x37: {  	[smem:$0x3FB8] =	sst s10  }
0x38: {  	s10 =	sld [smem:$0x3FB9]  }
0x39: {  	_ = 	snop;
	(pc) =	sbr.ind lr, $3  }
0x3a: {  	_ = 	snop  }
0x3b: {  	_ = 	snop  }
0x3c: {  	p2 =	seq.s32 s10, $0x1;
	s10 =	sld [smem:$0x3FB8]  }
0x3d: {  	_ =	shalt  }
0x3e: {  	_ =	shalt  }
0x3f: {  	_ =	shalt  }
0x40: {  	_ =	shalt  }
0x41: {  	_ =	shalt  }
0x42: {  	_ =	shalt  }
0x43: {  	_ =	shalt  }
0x44: {  	_ =	shalt  }
0x45: {  	_ =	shalt  }
0x46: {  	_ =	shalt  }
0x47: {  	_ =	shalt  }
0x48: {  	_ =	shalt  }
0x49: {  	_ =	shalt  }
0x4a: {  	_ =	shalt  }
0x4b: {  	_ =	shalt  }
0x4c: {  	_ =	shalt  }
0x4d: {  	_ =	shalt  }
0x4e: {  	_ =	shalt  }
0x4f: {  	_ =	shalt  }
0x50: {  	_ =	shalt  }
0x51: {  	_ =	shalt  }
0x52: {  	_ =	shalt  }
0x53: {  	_ =	shalt  }
0x54: {  	_ =	shalt  }
0x55: {  	_ =	shalt  }
0x56: {  	_ =	shalt  }
0x57: {  	_ =	shalt  }
0x58: {  	_ =	shalt  }
0x59: {  	_ =	shalt  }
0x5a: {  	_ =	shalt  }
0x5b: {  	_ =	shalt  }
0x5c: {  	_ =	shalt  }
0x5d: {  	_ =	shalt  }
0x5e: {  	_ =	shalt  }
0x5f: {  	_ =	shalt  }
0x60: {  	_ =	shalt  }
0x61: {  	_ =	shalt  }
0x62: {  	_ =	shalt  }
0x63: {  	_ =	shalt  }
0x64: {  	_ =	shalt  }
0x65: {  	_ =	shalt  }
0x66: {  	_ =	shalt  }
0x67: {  	_ =	shalt  }
0x68: {  	_ =	shalt  }
0x69: {  	_ =	shalt  }
0x6a: {  	_ =	shalt  }
0x6b: {  	_ =	shalt  }
0x6c: {  	_ =	shalt  }
0x6d: {  	_ =	shalt  }
0x6e: {  	_ =	shalt  }
0x6f: {  	_ =	shalt  }
0x70: {  	_ =	shalt  }
0x71: {  	_ =	shalt  }
0x72: {  	_ =	shalt  }
0x73: {  	_ =	shalt  }
0x74: {  	_ =	shalt  }
0x75: {  	_ =	shalt  }
0x76: {  	_ =	shalt  }
0x77: {  	_ =	shalt  }
0x78: {  	_ =	shalt  }
0x79: {  	_ =	shalt  }
0x7a: {  	_ =	shalt  }
0x7b: {  	_ =	shalt  }
0x7c: {  	_ =	shalt  }
0x7d: {  	_ =	shalt  }
0x7e: {  	_ =	shalt  }
0x7f: {  	_ =	shalt  }
0x80: {  	_ =	shalt  }
0x81: {  	_ =	shalt  }
0x82: {  	_ =	shalt  }
0x83: {  	_ =	shalt  }
0x84: {  	_ =	shalt  }
0x85: {  	_ =	shalt  }
0x86: {  	_ =	shalt  }
0x87: {  	_ =	shalt  }
.Lfunc_end0:
.L_simem_size_0:
called_computation_lowered:
.L_overlay_start_0:
0x88: {  	s2 =	sld [smem:$0x3FD9]  }
0x89: {  	s3 =	sld [smem:$0x3FFE];
	_ =	sdelay $0x1  }
0x8a: {  	s1 =	srdreg.scid  }
0x8b: {  	s0 =	sand.u32 $0x1, s1  }
0x8c: {  	s17 =	sshll.u32 s0, $0xA;
	s2 =	sadd.s32 s3, s2  }
0x8d: {  	s2 =	sadd.s32 s2, s17  }
0x8e: {  	[smem:$0x3FC4] =	sst s2  }
0x8f: {  	_ = 	snop  }
0x90: {  	s2 =	sld [smem:$0x3FC9]  }
0x91: {  	s18 =	sld [smem:$0x3FC8]  }
0x92: {  	s4 =	sld [smem:$0x3FC6]  }
0x93: {  	s5 =	sld [smem:$0x3FD0];
	(tm) =	ssettm $0x1  }
0x94: {  	s6 =	sld [smem:$0x3FFB];
	_ =	sdelay $0x3  }
0x95: {  	_ =	strace s6  }
0x96: {  	s6 =	sld [smem:$0x3FFC];
	_ =	sdelay $0x3  }
0x97: {  	_ =	strace s6  }
0x98: {  	s6 =	sld [smem:$0x3FFD];
	_ =	sdelay $0x3  }
0x99: {  	_ =	strace s6  }
0x9a: {  	_ =	strace $0x8FFFFFFF  }
0x9b: {  	s19 =	sld [smem:$0x3FDB];
	_ =	sdelay $0x1  }
0x9c: {  	s7 =	simm.s32 $_scs_section_size  }
0x9d: {  	s8 =	simm.s32 $_size__tile_overlayer_lowered;
	s9 =	simm.s32 $_tile_overlayer_lowered  }
0x9e: {  	s22 =	simm.s32 $0x1BFF;
	s21 =	sshll.u32 s9, $0x1;
	s6 =	sadd.s32 s7, s19  }
0x9f: {  	s10 =	simm.s32 $0x0;
	s20 =	sshll.u32 s8, $0x1;
	s8 =	sadd.s32 s21, s6  }
0xa0: {  	[timem:s10], [sflag:s22] =	dma.local [hbm:s8], s20  }
0xa1: {  	_ =	swait.ge [sflag:s22], s20  }
0xa2: {  	s7 =	ssub.s32 $0x0, s20;
	[sflag:s22] =	ssyncset.done $0x0  }
0xa3: {  	[sflag:s22] =	ssyncadd.s32 s7;
	_ =	sdelay $0x1  }
0xa4: {  	s23 =	simm.s32 $0x1B8B  }
0xa5: {  	_ =	swait.ge [sflag:s23], $0x1  }
0xa6: {  	[sflag:s23] =	ssyncset.done $0x0  }
0xa7: {  	s25 =	simm.s32 $0x1B8E;
	s24 =	sld [smem:$0x3FFE];
	[sflag:s23] =	ssyncadd.s32 $0xFFFFFFFF  }
0xa8: {  	s26 =	simm.s32 $execute0_lowered;
	[smem:$0x3FD2] =	sst s25  }
0xa9: {  	s8 =	sshll.u32 s26, $0x1;
	_ =	strace $0x80000046;
	[dreg:$0x1] =	wrdreg $0xFFFFFFFF  }
0xaa: {  	s28 =	simm.s32 $_size_execute0_lowered;
	s6 =	sadd.s32 s6, s8;
	[dreg:$0x0] =	wrdreg $0x0  }
0xab: {  	s8 =	sshll.u32 s28, $0x1;
	[dreg:$0x2] =	wrdreg s6  }
0xac: {  	[dreg:$0x3] =	wrdreg s8  }
0xad: {  	[dreg:$0x4] =	wrdreg $0xC0  }
0xae: {  	_ =	task [dreg:s10], $0x5FFFF  }
0xaf: {  	[dreg:$0x1] =	wrdreg $0xFFFFFFFF  }
0xb0: {  	[dreg:$0x0] =	wrdreg $0x60  }
0xb1: {  	[dreg:$0x2] =	wrdreg s2  }
0xb2: {  	[dreg:$0x3] =	wrdreg s18  }
0xb3: {  	[dreg:$0x4] =	wrdreg s24  }
0xb4: {  	[dreg:$0x5] =	wrdreg s4  }
0xb5: {  	[dreg:$0x6] =	wrdreg s5  }
0xb6: {  	[dreg:$0x7] =	wrdreg $0xA1000  }
0xb7: {  	[dreg:$0x8] =	wrdreg $0x9  }
0xb8: {  	_ =	task.clear_ibuf [dreg:s10], $0x9FFFF;
	_ =	strace $0x90000046  }
0xb9: {  	s29 =	simm.s32 $0x9;
	_ =	strace $0x80000048  }
0xba: {  	_ =	swait.ge [sflag:s29], $0x1  }
0xbb: {  	[sflag:s29] =	ssyncadd.s32 $0xFFFFFFFF  }
0xbc: {  	_ =	strace $0x90000048  }
0xbd: {  	_ =	sfence  }
0xbe: {  	s30 =	sld [smem:$0x0];
	_ =	sdelay $0x2  }
0xbf: {  	s31 =	sshll.u32 s1, $0xD;
	s1 =	sshrl.u32 s1, $0x2  }
0xc0: {  	s3 =	sand.u32 $0x4000, s31;
	s1 =	sadd.s32 s1, s30  }
0xc1: {  	s0 =	sor.u32 s3, s0;
	s1 =	sshll.u32 s1, $0x11  }
0xc2: {  	s0 =	sor.u32 s1, s0  }
0xc3: {  	s0 =	sadd.s32 $0x8F2B, s0  }
0xc4: {  	[sflag:s0] =	ssyncadd.remote.s32 $0x1  }
0xc5: {  	_ =	sfence.sel $0xFFFF  }
0xc6: {  	[dreg:$0x0] =	wrdreg $0xFFFFFFFF;
	(pc) =	sbr.abs _section_cstart, $3  }
0xc7: {  	[dreg:$0x1] =	wrdreg $0xFFFFFFFF  }
0xc8: {  	_ =	task.clear_ibuf [dreg:s10], $0x2FFFF;
	_ =	strace $0x9FFFFFFF  }
0xc9: {  	(tm) =	ssettm $0x7FFFFFFF  }
tec
execute0_lowered:
.L_overlay_start_1:
0x0: {  	(tag) =	ssettag $0x1  }
0x1: {  	s1 =	rddreg [dreg:$0x0]  }
0x2: {  	s0 =	rddreg [dreg:$0x1]  }
0x3: {  	s2 =	rddreg [dreg:$0x2]  }
0x4: {  	s3 =	rddreg [dreg:$0x4]  }
0x5: {  	s4 =	rddreg [dreg:$0x5]  }
0x6: {  	s6 =	srdreg.scid;
	s14 =	stileid.u32  }
0x7: {  	s5 =	simm.s32 $0x0;
	s29 =	simm.s32 $0x7900;
	s30 =	simm.s32 $0x1  }
0x8: {  	s9 =	sand.u32 $0x1, s6;
	s12 =	sshll.u32 s14, $0x1;
	s7 =	smul.u32 $0x4F000, s14  }
0x9: {  	s31 =	simm.s32 $0x4;
	s8 =	sor.u32 s9, s12;
	s12 =	smul.u32 $0x13C000, s9  }
0xa: {  	s28 =	simm.s32 $0x6;
	s13 =	ssub.s32 $0x2, s9;
	s9 =	smul.u32 $0x3E80, s9  }
0xb: {  	[smem:$0x7FF] =	sst s5;
	s6 =	sadd.s32 $0x400, s2;
	s10 =	smul.u32 $0x4E2, s8  }
0xc: {  	s17 =	sshll.u32 s14, $0x6;
	s8 =	smul.u32 $0x3E80, s8;
	s11 =	sshrl.u32 s13, $0x1  }
0xd: {  	s7 =	sshrl.u32 s7, $0x2;
	s2 =	ssub.s32 s13, s11;
	s13 =	smul.u32 $0x13C00, s14  }
0xe: {  	_ =	strace $0x80000047;
	s15 =	sadd.s32 s7, s4;
	s14 =	smul.u32 $0x7D00, s14  }
0xf: {  	s7 =	sor.u32 $0x1C07, s17;
	s8 =	sshrl.u32 s8, $0x3;
	s0 =	sadd.s32 s0, s10  }
0x10: {  	s21 =	smax.u32 s2, $0x1;
	s2 =	simm.s32 $0x3;
	s8 =	sadd.s32 s6, s8  }
0x11: {  	[dreg:$0x7] =	wrdreg s0;
	s19 =	sadd.s32 s13, s12;
	s9 =	sadd.s32 s9, s14  }
0x12: {  	[dreg:$0xb] =	wrdreg s21;
	s21 =	simm.s32 $0x2780;
	s18 =	sadd.s32 $0x10, s8  }
0x13: {  	s20 =	sadd.s32 $0x20, s8;
	s0 =	sshrl.u32 s19, $0x3;
	[dreg:$0x8] =	wrdreg s18  }
0x14: {  	s22 =	sadd.s32 $0x280, s9;
	s23 =	sadd.s32 $0x7B0, s8;
	[dreg:$0x9] =	wrdreg s20  }
0x15: {  	s24 =	sadd.s32 $0x200, s9;
	s25 =	sadd.s32 $0x7C0, s8;
	[dreg:$0xc] =	wrdreg s23  }
0x16: {  	s19 =	sshrl.u32 s15, $0x3;
	s0 =	sadd.s32 s3, s0;
	[dreg:$0xd] =	wrdreg s25  }
0x17: {  	s26 =	sshrl.u32 s24, $0x3;
	s18 =	sadd.s32 $0x180, s9;
	s20 =	simm.s32 $0x7  }
0x18: {  	s23 =	simm.s32 $0x2900;
	s24 =	simm.s32 $0x2800;
	s25 =	simm.s32 $0x5100  }
0x19: {  	s3 =	simm.s32 $0x5;
	s9 =	simm.s32 $0x0;
	[dreg:$0xa] =	wrdreg s0  }
0x1a: {  	s0 =	sshrl.u32 s22, $0x3;
	s17 =	sadd.s32 s26, s6;
	s22 =	simm.s32 $0x50  }
0x1b: {  	s26 =	simm.s32 $0x2880;
	s16 =	sadd.s32 s0, s6;
	s0 =	simm.s32 $0x2  }
.LBB2_1:
0x1c: {  	s10 =	rddreg [dreg:$0x3]  }
0x1d: {  	[spmem:s19], [sflag:s7] =	dma.local [hbm:s10], $0x2780  }
0x1e: {  	_ =	swait.ge [sflag:s20], $0x2780  }
0x1f: {  	[sflag:s20] =	ssyncset.done $0x0  }
0x20: {  	s14 =	rddreg [dreg:$0x7];
	[sflag:s20] =	ssyncadd.s32 $0xFFFFD880  }
0x21: {  	[tilespmem:s5], [sflag:$0x7] =	stream.linear.gather [hbm4b:s14+s5], $0x2710, $0x38;
	[tilespmem:$0x1DD00] =	vst v63  }
0x22: {  	_ =	swait.ge [sflag:s20], $0x2710  }
0x23: {  	[sflag:s20] =	ssyncset.done $0x0  }
0x24: {  	[sflag:s20] =	ssyncadd.s32 $0xFFFFD8F0  }
0x25: {  	[bflag:$0x0] =	sbarrier.arrive $0xFFFF  }
0x26: {  	[tilespmem:s21], [sflag:$0x4] =	stream.linear.gather [hbm4b:s8+s5], $0x80, $0x38;
	[tilespmem:$0x1DD00] =	vst v63  }
0x27: {  	_ = 	snop  }
0x28: {  	[tilespmem:s23], [sflag:$0x1] =	stream.indirect.gather [hbm4b:s1+s22], $0x80, s5, s22, $0xb8;
	[tilespmem:$0x1DD00] =	vst v63  }
0x29: {  	s15 =	rddreg [dreg:$0x8]  }
0x2a: {  	[tilespmem:s24], [sflag:$0x5] =	stream.linear.gather [hbm4b:s15+s5], $0x80, $0x38;
	[tilespmem:$0x1DD00] =	vst v63  }
0x2b: {  	_ = 	snop  }
0x2c: {  	[tilespmem:s25], [sflag:$0x2] =	stream.indirect.gather [hbm4b:s1+s22], $0x80, s22, s22, $0xb8;
	[tilespmem:$0x1DD00] =	vst v63  }
0x2d: {  	s11 =	rddreg [dreg:$0x9]  }
0x2e: {  	[tilespmem:s26], [sflag:$0x6] =	stream.linear.gather [hbm4b:s11+s5], $0x80, $0x38;
	[tilespmem:$0x1DD00] =	vst v63  }
0x2f: {  	s12 =	simm.s32 $0xA0  }
0x30: {  	[tilespmem:s29], [sflag:$0x3] =	stream.indirect.gather [hbm4b:s1+s22], $0x80, s12, s22, $0xb8;
	[tilespmem:$0x1DD00] =	vst v63  }
0x31: {  	_ =	swait.ge [sflag:s30], $0x2800  }
0x32: {  	[sflag:s30] =	ssyncset.done $0x0  }
0x33: {  	[sflag:s30] =	ssyncadd.s32 $0xFFFFD800  }
0x34: {  	_ =	swait.ge [sflag:s31], $0x80  }
0x35: {  	[sflag:s31] =	ssyncset.done $0x0  }
0x36: {  	[sflag:s31] =	ssyncadd.s32 $0xFFFFFF80  }
0x37: {  	[spmem:s4] =	stream.indirect.scatter.add.f32 [tilespmem:s23], [sflag:$0x7], $0x80, s21, s22, $0xb8;
	[tilespmem:$0x1DD00] =	vst v63  }
0x38: {  	_ =	swait.ge [sflag:s20], $0x2800  }
0x39: {  	s13 =	sshrl.u32 s18, $0x3;
	[sflag:s20] =	ssyncset.done $0x0  }
0x3a: {  	s10 =	sadd.s32 s6, s13;
	[sflag:s20] =	ssyncadd.s32 $0xFFFFD800  }
0x3b: {  	[tilespmem:s21], [sflag:$0x4] =	stream.linear.gather [hbm4b:s10+s5], $0x80, $0x38;
	[tilespmem:$0x1DD00] =	vst v63  }
0x3c: {  	s14 =	simm.s32 $0xF0  }
0x3d: {  	[tilespmem:s23], [sflag:$0x1] =	stream.indirect.gather [hbm4b:s1+s22], $0x80, s14, s22, $0xb8;
	[tilespmem:$0x1DD00] =	vst v63  }
0x3e: {  	_ =	swait.ge [sflag:s0], $0x2800  }
0x3f: {  	[sflag:s0] =	ssyncset.done $0x0  }
0x40: {  	[sflag:s0] =	ssyncadd.s32 $0xFFFFD800  }
0x41: {  	_ =	swait.ge [sflag:s3], $0x80  }
0x42: {  	[sflag:s3] =	ssyncset.done $0x0  }
0x43: {  	[sflag:s3] =	ssyncadd.s32 $0xFFFFFF80  }
0x44: {  	[spmem:s4] =	stream.indirect.scatter.add.f32 [tilespmem:s25], [sflag:$0x7], $0x80, s24, s22, $0xb8;
	[tilespmem:$0x1DD00] =	vst v63  }
0x45: {  	_ =	swait.ge [sflag:s20], $0x2800  }
0x46: {  	[sflag:s20] =	ssyncset.done $0x0  }
0x47: {  	[sflag:s20] =	ssyncadd.s32 $0xFFFFD800  }
0x48: {  	[tilespmem:s24], [sflag:$0x5] =	stream.linear.gather [hbm4b:s17+s5], $0x80, $0x38;
	[tilespmem:$0x1DD00] =	vst v63  }
0x49: {  	s15 =	simm.s32 $0x140  }
0x4a: {  	[tilespmem:s25], [sflag:$0x2] =	stream.indirect.gather [hbm4b:s1+s22], $0x80, s15, s22, $0xb8;
	[tilespmem:$0x1DD00] =	vst v63  }
0x4b: {  	_ =	swait.ge [sflag:s2], $0x2800  }
0x4c: {  	[sflag:s2] =	ssyncset.done $0x0  }
0x4d: {  	[sflag:s2] =	ssyncadd.s32 $0xFFFFD800  }
0x4e: {  	_ =	swait.ge [sflag:s28], $0x80  }
0x4f: {  	[sflag:s28] =	ssyncset.done $0x0  }
0x50: {  	[sflag:s28] =	ssyncadd.s32 $0xFFFFFF80  }
0x51: {  	[spmem:s4] =	stream.indirect.scatter.add.f32 [tilespmem:s29], [sflag:$0x7], $0x80, s26, s22, $0xb8;
	[tilespmem:$0x1DD00] =	vst v63  }
0x52: {  	s13 =	sadd.s32 $0x30, s17;
	_ =	swait.ge [sflag:s20], $0x2800  }
0x53: {  	s11 =	sadd.s32 $0x180, s18;
	s12 =	sadd.s32 $0x30, s16;
	[sflag:s20] =	ssyncset.done $0x0  }
0x54: {  	s10 =	simm.s32 $0x3C0;
	s14 =	simm.s32 $0x190;
	[sflag:s20] =	ssyncadd.s32 $0xFFFFD800  }
0x55: {  	[tilespmem:s26], [sflag:$0x6] =	stream.linear.gather [hbm4b:s16+s5], $0x80, $0x38;
	[tilespmem:$0x1DD00] =	vst v63  }
.LBB2_2:
0x56: {  	[tilespmem:s29], [sflag:$0x3] =	stream.indirect.gather [hbm4b:s1+s22], $0x80, s14, s22, $0xb8;
	[tilespmem:$0x1DD00] =	vst v63  }
0x57: {  	s14 =	smov.u32 s10  }
0x58: {  	p0 =	sne.s32 s10, $0x9240;
	s10 =	sadd.s32 $0x3C0, s10;
	_ =	swait.ge [sflag:s30], $0x2800  }
0x59: {  	[sflag:s30] =	ssyncset.done $0x0  }
0x5a: {  	[sflag:s30] =	ssyncadd.s32 $0xFFFFD800  }
0x5b: {  	_ =	swait.ge [sflag:s31], $0x80  }
0x5c: {  	[sflag:s31] =	ssyncset.done $0x0  }
0x5d: {  	[sflag:s31] =	ssyncadd.s32 $0xFFFFFF80  }
0x5e: {  	[spmem:s4] =	stream.indirect.scatter.add.f32 [tilespmem:s23], [sflag:$0x7], $0x80, s21, s22, $0xb8;
	[tilespmem:$0x1DD00] =	vst v63  }
0x5f: {  	_ =	swait.ge [sflag:s20], $0x2800  }
0x60: {  	s15 =	sshrl.u32 s11, $0x3;
	[sflag:s20] =	ssyncset.done $0x0  }
0x61: {  	s15 =	sadd.s32 s6, s15;
	s14 =	sshra.s32 s14, $0x2;
	[sflag:s20] =	ssyncadd.s32 $0xFFFFD800  }
0x62: {  	[tilespmem:s21], [sflag:$0x4] =	stream.linear.gather [hbm4b:s15+s5], $0x80, $0x38;
	[tilespmem:$0x1DD00] =	vst v63  }
0x63: {  	s15 =	sadd.s32 $0xF0, s14  }
0x64: {  	[tilespmem:s23], [sflag:$0x1] =	stream.indirect.gather [hbm4b:s1+s22], $0x80, s15, s22, $0xb8;
	[tilespmem:$0x1DD00] =	vst v63  }
0x65: {  	_ =	swait.ge [sflag:s0], $0x2800  }
0x66: {  	[sflag:s0] =	ssyncset.done $0x0  }
0x67: {  	[sflag:s0] =	ssyncadd.s32 $0xFFFFD800  }
0x68: {  	_ =	swait.ge [sflag:s3], $0x80  }
0x69: {  	[sflag:s3] =	ssyncset.done $0x0  }
0x6a: {  	[sflag:s3] =	ssyncadd.s32 $0xFFFFFF80  }
0x6b: {  	[spmem:s4] =	stream.indirect.scatter.add.f32 [tilespmem:s25], [sflag:$0x7], $0x80, s24, s22, $0xb8;
	[tilespmem:$0x1DD00] =	vst v63  }
0x6c: {  	_ =	swait.ge [sflag:s20], $0x2800  }
0x6d: {  	[sflag:s20] =	ssyncset.done $0x0  }
0x6e: {  	[sflag:s20] =	ssyncadd.s32 $0xFFFFD800  }
0x6f: {  	[tilespmem:s24], [sflag:$0x5] =	stream.linear.gather [hbm4b:s13+s5], $0x80, $0x38;
	[tilespmem:$0x1DD00] =	vst v63  }
0x70: {  	s15 =	sadd.s32 $0x140, s14  }
0x71: {  	[tilespmem:s25], [sflag:$0x2] =	stream.indirect.gather [hbm4b:s1+s22], $0x80, s15, s22, $0xb8;
	[tilespmem:$0x1DD00] =	vst v63  }
0x72: {  	_ =	swait.ge [sflag:s2], $0x2800  }
0x73: {  	[sflag:s2] =	ssyncset.done $0x0  }
0x74: {  	[sflag:s2] =	ssyncadd.s32 $0xFFFFD800  }
0x75: {  	_ =	swait.ge [sflag:s28], $0x80  }
0x76: {  	[sflag:s28] =	ssyncset.done $0x0  }
0x77: {  	[sflag:s28] =	ssyncadd.s32 $0xFFFFFF80  }
0x78: {  	[spmem:s4] =	stream.indirect.scatter.add.f32 [tilespmem:s29], [sflag:$0x7], $0x80, s26, s22, $0xb8;
	[tilespmem:$0x1DD00] =	vst v63  }
.Ltmp0:
0x79: {  	_ =	swait.ge [sflag:s20], $0x2800;
	(pc) =	sbr.rel @p0 .LBB2_2-.Ltmp0, $4  }
0x7a: {  	[sflag:s20] =	ssyncset.done $0x0  }
0x7b: {  	s11 =	sadd.s32 $0x180, s11;
	[sflag:s20] =	ssyncadd.s32 $0xFFFFD800  }
0x7c: {  	[tilespmem:s26], [sflag:$0x6] =	stream.linear.gather [hbm4b:s12+s5], $0x80, $0x38;
	[tilespmem:$0x1DD00] =	vst v63  }
0x7d: {  	s14 =	sadd.s32 $0x190, s14;
	s13 =	sadd.s32 $0x30, s13;
	s12 =	sadd.s32 $0x30, s12  }
0x7e: {  	[tilespmem:s29], [sflag:$0x3] =	stream.indirect.gather [hbm4b:s1+s22], $0x80, s14, s22, $0xb8;
	[tilespmem:$0x1DD00] =	vst v63  }
0x7f: {  	_ =	swait.ge [sflag:s30], $0x2800  }
0x80: {  	[sflag:s30] =	ssyncset.done $0x0  }
0x81: {  	[sflag:s30] =	ssyncadd.s32 $0xFFFFD800  }
0x82: {  	_ =	swait.ge [sflag:s31], $0x80  }
0x83: {  	[sflag:s31] =	ssyncset.done $0x0  }
0x84: {  	[sflag:s31] =	ssyncadd.s32 $0xFFFFFF80  }
0x85: {  	[spmem:s4] =	stream.indirect.scatter.add.f32 [tilespmem:s23], [sflag:$0x7], $0x80, s21, s22, $0xb8;
	[tilespmem:$0x1DD00] =	vst v63  }
0x86: {  	_ =	swait.ge [sflag:s20], $0x2800  }
0x87: {  	[sflag:s20] =	ssyncset.done $0x0  }
0x88: {  	s10 =	rddreg [dreg:$0xc];
	[sflag:s20] =	ssyncadd.s32 $0xFFFFD800  }
0x89: {  	[tilespmem:s21], [sflag:$0x4] =	stream.linear.gather [hbm4b:s10+s5], $0x80, $0x38;
	[tilespmem:$0x1DD00] =	vst v63  }
0x8a: {  	s11 =	simm.s32 $0x2670  }
0x8b: {  	[tilespmem:s23], [sflag:$0x1] =	stream.indirect.gather [hbm4b:s1+s22], $0x80, s11, s22, $0xb8;
	[tilespmem:$0x1DD00] =	vst v63  }
0x8c: {  	_ =	swait.ge [sflag:s0], $0x2800  }
0x8d: {  	[sflag:s0] =	ssyncset.done $0x0  }
0x8e: {  	[sflag:s0] =	ssyncadd.s32 $0xFFFFD800  }
0x8f: {  	_ =	swait.ge [sflag:s3], $0x80  }
0x90: {  	[sflag:s3] =	ssyncset.done $0x0  }
0x91: {  	[sflag:s3] =	ssyncadd.s32 $0xFFFFFF80  }
0x92: {  	[spmem:s4] =	stream.indirect.scatter.add.f32 [tilespmem:s25], [sflag:$0x7], $0x80, s24, s22, $0xb8;
	[tilespmem:$0x1DD00] =	vst v63  }
0x93: {  	_ =	swait.ge [sflag:s20], $0x2800  }
0x94: {  	[sflag:s20] =	ssyncset.done $0x0  }
0x95: {  	s12 =	rddreg [dreg:$0xd];
	[sflag:s20] =	ssyncadd.s32 $0xFFFFD800  }
0x96: {  	[tilespmem:s24], [sflag:$0x5] =	stream.linear.gather [hbm4b:s12+s5], $0x80, $0x38;
	[tilespmem:$0x1DD00] =	vst v63  }
0x97: {  	s13 =	simm.s32 $0x26C0  }
0x98: {  	[tilespmem:s25], [sflag:$0x2] =	stream.indirect.gather [hbm4b:s1+s22], $0x80, s13, s22, $0xb8;
	[tilespmem:$0x1DD00] =	vst v63  }
0x99: {  	_ =	swait.ge [sflag:s2], $0x2800  }
0x9a: {  	[sflag:s2] =	ssyncset.done $0x0  }
0x9b: {  	[sflag:s2] =	ssyncadd.s32 $0xFFFFD800  }
0x9c: {  	_ =	swait.ge [sflag:s28], $0x80  }
0x9d: {  	[sflag:s28] =	ssyncset.done $0x0  }
0x9e: {  	[sflag:s28] =	ssyncadd.s32 $0xFFFFFF80  }
0x9f: {  	[spmem:s4] =	stream.indirect.scatter.add.f32 [tilespmem:s29], [sflag:$0x7], $0x80, s26, s22, $0xb8;
	[tilespmem:$0x1DD00] =	vst v63  }
0xa0: {  	_ =	swait.ge [sflag:s20], $0x2800  }
0xa1: {  	[sflag:s20] =	ssyncset.done $0x0  }
0xa2: {  	[sflag:s20] =	ssyncadd.s32 $0xFFFFD800  }
0xa3: {  	_ =	swait.ge [sflag:s30], $0x2800  }
0xa4: {  	[sflag:s30] =	ssyncset.done $0x0  }
0xa5: {  	[sflag:s30] =	ssyncadd.s32 $0xFFFFD800  }
0xa6: {  	_ =	swait.ge [sflag:s31], $0x80  }
0xa7: {  	[sflag:s31] =	ssyncset.done $0x0  }
0xa8: {  	[sflag:s31] =	ssyncadd.s32 $0xFFFFFF80  }
0xa9: {  	[spmem:s4] =	stream.indirect.scatter.add.f32 [tilespmem:s23], [sflag:$0x7], $0x80, s21, s22, $0xb8;
	[tilespmem:$0x1DD00] =	vst v63  }
0xaa: {  	_ =	swait.ge [sflag:s20], $0x2800  }
0xab: {  	[sflag:s20] =	ssyncset.done $0x0  }
0xac: {  	[sflag:s20] =	ssyncadd.s32 $0xFFFFD800  }
0xad: {  	_ =	swait.ge [sflag:s0], $0x2800  }
0xae: {  	[sflag:s0] =	ssyncset.done $0x0  }
0xaf: {  	[sflag:s0] =	ssyncadd.s32 $0xFFFFD800  }
0xb0: {  	_ =	swait.ge [sflag:s3], $0x80  }
0xb1: {  	[sflag:s3] =	ssyncset.done $0x0  }
0xb2: {  	[sflag:s3] =	ssyncadd.s32 $0xFFFFFF80  }
0xb3: {  	[spmem:s4] =	stream.indirect.scatter.add.f32 [tilespmem:s25], [sflag:$0x7], $0x80, s24, s22, $0xb8;
	[tilespmem:$0x1DD00] =	vst v63  }
0xb4: {  	_ =	swait.ge [sflag:s20], $0x2800  }
0xb5: {  	[sflag:s20] =	ssyncset.done $0x0  }
0xb6: {  	[sflag:s20] =	ssyncadd.s32 $0xFFFFD800  }
0xb7: {  	[bflag:$0x0] =	sbarrier.arrive $0xFFFF  }
0xb8: {  	s14 =	rddreg [dreg:$0xa]  }
0xb9: {  	[hbm:s14], [sflag:s7] =	dma.local [spmem:s19], $0x2780  }
0xba: {  	_ =	swait.ge [sflag:s20], $0x2780  }
0xbb: {  	s9 =	sadd.s32 $0x1, s9;
	s15 =	rddreg [dreg:$0xb]  }
0xbc: {  	p0 =	sne.s32 s9, s15  }
.Ltmp1:
0xbd: {  	_ = 	snop;
	(pc) =	sbr.rel @p0 .LBB2_1-.Ltmp1, $3  }
0xbe: {  	_ =	sdelay $0x1  }
0xbf: {  	[sflag:s20] =	ssyncset.done $0x0  }
0xc0: {  	[sflag:s20] =	ssyncadd.s32 $0xFFFFD880  }
0xc1: {  	_ =	sfence.sel $0x180000  }
0xc2: {  	[bflag:$0x0] =	sbarrier.arrive $0xFFFF  }
0xc3: {  	_ =	strace $0x90000047  }
0xc4: {  	s0 =	stileid.u32;
	[bflag:$0x2] =	sbarrier.arrive $0xFFFF  }
0xc5: {  	p0 =	sne.s32 s0, $0x0;
	s0 =	rddreg [dreg:$0x6]  }
0xc6: {  	s0 =	sadd.s32 @!p0 $0x100000, s0  }
0xc7: {  	[sflag:s0] =	ssyncadd.tile.s32 @!p0 $0x1;
	_ =	shalt  }
.Lfunc_end2:
_tile_overlayer_lowered:
.L_overlay_start_2:
0xc8: {  	(tag) =	ssettag $0x2  }
0xc9: {  	s0 =	rddreg [dreg:$0x0];
	s2 =	stileid.u32  }
0xca: {  	s1 =	rddreg [dreg:$0x1];
	p0 =	sne.s32 s2, $0x0  }
0xcb: {  	s3 =	rddreg [dreg:$0x2];
	[bflag:$0x3] =	sbarrier.arrive $0xFFFF;
	s2 =	simm.s32 @!p0 $0x1C07  }
0xcc: {  	[timem:s3], [sflag:s2] =	dma.local @!p0 [hbm:s0], s1  }
0xcd: {  	s0 =	simm.s32 @!p0 $0x7  }
0xce: {  	_ =	swait.ge @!p0 [sflag:s0], s1  }
0xcf: {  	s1 =	ssub.s32 @!p0 $0x0, s1;
	[sflag:s0] =	ssyncset.done @!p0 $0x0  }
0xd0: {  	[sflag:s0] =	ssyncadd.s32 @!p0 s1  }
0xd1: {  	[bflag:$0x3] =	sbarrier.arrive $0xFFFF  }
0xd2: {  	_ =	shalt  }

</sc_bundles>
